<compile_context>
chip_gen: v7x
topology: tpu7x:2x2x1
jax: 0.10.2.dev20260603
libtpu: 0.0.44.dev20260713+nightly
codegen_flags: <defaults>
</compile_context>

<pallas_src>
import functools

import jax
import jax.numpy as jnp
from jax import lax
from jax.experimental import pallas as pl
from jax.experimental.pallas import tpu as pltpu
from jax.experimental.pallas import tpu_sc as plsc

NC = 2
NS = 16
LANES = 16
NW = NC * NS
CH = 32
NB = 5
LOOKAHEAD = 2


def _make_embed(batch, seq_len, d_model, seq_per_w, n_sub):
    n_chunks = batch * n_sub
    mesh = plsc.VectorSubcoreMesh(
        core_axis_name="c", subcore_axis_name="s", num_cores=NC, num_subcores=NS
    )
    scratch = [
        pltpu.VMEM((batch, seq_per_w), jnp.int32),
        pltpu.VMEM((seq_per_w, d_model), jnp.float32),
        pltpu.VMEM((NB * CH, d_model), jnp.float32),
        pltpu.SemaphoreType.DMA((NB,)),
        pltpu.SemaphoreType.DMA((NB,)),
        pltpu.SemaphoreType.DMA,
        pltpu.SemaphoreType.DMA,
    ]

    @functools.partial(
        pl.kernel,
        out_type=jax.ShapeDtypeStruct((batch * seq_len, d_model), jnp.float32),
        mesh=mesh,
        scratch_types=scratch,
    )
    def embed(idx_hbm, table_hbm, pos_hbm, out_hbm,
              idx_v, pos_v, rows_v, gsems, osems, psem, isem):
        wid = lax.axis_index("s") * NC + lax.axis_index("c")
        seq0 = wid * seq_per_w

        pos_cp = pltpu.async_copy(
            pos_hbm.at[pl.ds(seq0, seq_per_w)], pos_v, psem)
        idx_cps = [
            pltpu.async_copy(
                idx_hbm.at[b, pl.ds(seq0, seq_per_w)], idx_v.at[b], isem)
            for b in range(batch)
        ]
        for cp in idx_cps:
            cp.wait()

        def chunk_pos(c):
            bi = c // n_sub
            sub = c - bi * n_sub
            return bi, sub

        def slot(c):
            return lax.rem(c, NB) * CH

        def gather(c):
            bi, sub = chunk_pos(c)
            pltpu.async_copy(
                table_hbm.at[idx_v.at[bi, pl.ds(sub * CH, CH)]],
                rows_v.at[pl.ds(slot(c), CH)], gsems.at[lax.rem(c, NB)])

        def put(c):
            bi, sub = chunk_pos(c)
            pltpu.async_copy(
                rows_v.at[pl.ds(slot(c), CH)],
                out_hbm.at[pl.ds(bi * seq_len + seq0 + sub * CH, CH)],
                osems.at[lax.rem(c, NB)])

        def drain(sem):
            pltpu.make_async_copy(
                out_hbm.at[pl.ds(0, CH)], rows_v.at[pl.ds(0, CH)], sem).wait()

        @pl.loop(0, min(LOOKAHEAD, n_chunks))
        def _prime(c):
            gather(c)
        pos_cp.wait()

        @pl.loop(0, n_chunks)
        def _chunk(c):
            pf = c + LOOKAHEAD

            @pl.when(pf < n_chunks)
            def _():
                @pl.when(pf >= NB)
                def _():
                    drain(osems.at[lax.rem(pf, NB)])
                gather(pf)

            drain(gsems.at[lax.rem(c, NB)])
            base = slot(c)
            _, sub = chunk_pos(c)

            @plsc.parallel_loop(0, CH, unroll=8)
            def _row(r):
                for j in range(d_model // LANES):
                    sl = pl.ds(j * LANES, LANES)
                    plsc.addupdate(rows_v.at[base + r, sl],
                                   pos_v[sub * CH + r, sl])

            put(c)

        @pl.loop(0, min(NB, n_chunks))
        def _drain_tail(b):
            drain(osems.at[b])

    return embed


def kernel(token_ids, table, pos_encoding):
    if token_ids.ndim == 1:
        token_ids = token_ids[None, :]
    batch, seq_len = token_ids.shape
    d_model = table.shape[1]
    assert seq_len % NW == 0
    seq_per_w = seq_len // NW
    assert seq_per_w % CH == 0
    n_sub = seq_per_w // CH
    out = _make_embed(batch, seq_len, d_model, seq_per_w, n_sub)(
        token_ids.astype(jnp.int32), table, pos_encoding)
    return out.reshape(batch, seq_len, d_model)

# --- scband reference (transcript-rebuilt; emitter-appended) ---
"""Pipeline reference for scband-embedding-layer-85633057948023 (READ-ONLY COPY).

The authoritative reference and input builder live on the scoring server;
editing this copy changes nothing except your own understanding.
"""

import jax, jax.numpy as jnp
import numpy as np
import math

VOCAB = 50257
D_MODEL = 512
MAX_SEQ_LEN = 2048


def _create_positional_encoding(max_len, d_model):
    pe = np.zeros((max_len, d_model), dtype=np.float32)
    position = np.arange(0, max_len, dtype=np.float32)[:, None]
    div_term = np.exp(np.arange(0, d_model, 2, dtype=np.float32) * (-math.log(10000.0) / d_model))
    pe[:, 0::2] = np.sin(position * div_term)
    pe[:, 1::2] = np.cos(position * div_term)
    return jnp.asarray(pe)


def setup_inputs(seed: int = 0) -> dict:
    key = jax.random.key(seed)
    k_ids, k_tab = jax.random.split(key)
    token_ids = jax.random.randint(k_ids, (4, 2048), 0, VOCAB, dtype=jnp.int64 if jax.config.jax_enable_x64 else jnp.int32)
    # nn.Embedding default init: N(0, 1)
    table = jax.random.normal(k_tab, (VOCAB, D_MODEL), dtype=jnp.float32)
    pos_encoding = _create_positional_encoding(MAX_SEQ_LEN, D_MODEL)
    return {"token_ids": token_ids, "table": table, "pos_encoding": pos_encoding}


def reference(token_ids, table, pos_encoding):
    if token_ids.ndim == 1:
        token_ids = token_ids[None, :]
    batch_size, seq_len = token_ids.shape
    token_emb = jnp.take(table, token_ids, axis=0)  # [B, S, D] gather
    pos_emb = jnp.broadcast_to(pos_encoding[:seq_len][None, :, :], (batch_size, seq_len, pos_encoding.shape[1]))
    return token_emb + pos_emb

if __name__ == "__main__":
    import jax
    _d = setup_inputs()
    print(jax.jit(kernel)(*tuple(_d.values())))

</pallas_src>

<mosaic_0001>
#map = affine_map<(d0, d1) -> (0, 0)>
module attributes {stable_mosaic.version = 14 : i64} {
  func.func @embed(%arg0: i32, %arg1: i32, %arg2: memref<4x2048xi32, #tpu.memory_space<hbm>>, %arg3: memref<50257x512xf32, #tpu.memory_space<hbm>>, %arg4: memref<2048x512xf32, #tpu.memory_space<hbm>>, %arg5: memref<8192x512xf32, #tpu.memory_space<hbm>>, %arg6: memref<4x64xi32, #tpu.memory_space<vmem>>, %arg7: memref<64x512xf32, #tpu.memory_space<vmem>>, %arg8: memref<160x512xf32, #tpu.memory_space<vmem>>, %arg9: memref<5x!tpu.dma_semaphore, #tpu.memory_space<semaphore_mem>>, %arg10: memref<5x!tpu.dma_semaphore, #tpu.memory_space<semaphore_mem>>, %arg11: memref<!tpu.dma_semaphore, #tpu.memory_space<semaphore_mem>>, %arg12: memref<!tpu.dma_semaphore, #tpu.memory_space<semaphore_mem>>) attributes {dimension_semantics = [#tpu.dimension_semantics<core_parallel>, #tpu.dimension_semantics<subcore_parallel>], iteration_bounds = array<i64: 2, 16>, scalar_prefetch = 0 : i64, scratch_operands = 7 : i64, tpu.core_type = #tpu.core_type<sc_vector_subcore>, window_params = [{transform_indices = #map}, {transform_indices = #map}, {transform_indices = #map}, {transform_indices = #map}]} {
    %mul3A = arith.constant 2 : i32
    %mul3A_0 = arith.muli %arg1, %mul3A : i32
    %add3A = arith.addi %mul3A_0, %arg0 : i32
    %mul3A_1 = arith.constant 64 : i32
    %mul3A_2 = arith.muli %add3A, %mul3A_1 : i32
    %dma_start3A = arith.constant 0 : i32
    %dma_start3A_3 = tpu.memref_slice %arg4[%mul3A_2, %dma_start3A] : memref<2048x512xf32, #tpu.memory_space<hbm>> -> memref<64x512xf32, #tpu.memory_space<hbm>>
    %dma_start3A_4 = arith.constant 0 : i32
    %dma_start3A_5 = tpu.memref_slice %arg4[%mul3A_2, %dma_start3A_4] : memref<2048x512xf32, #tpu.memory_space<hbm>> -> memref<64x512xf32, #tpu.memory_space<hbm>>
    tpu.enqueue_dma source(%dma_start3A_5 : memref<64x512xf32, #tpu.memory_space<hbm>>) target(%arg7 : memref<64x512xf32, #tpu.memory_space<vmem>>) target_semaphore(%arg11 : memref<!tpu.dma_semaphore, #tpu.memory_space<semaphore_mem>>)
    %dma_start3A_6 = arith.constant 0 : i32
    %dma_start3A_7 = arith.constant 0 : i32
    %dma_start3A_8 = arith.constant 0 : i32
    %dma_start3A_9 = tpu.memref_slice %arg6[%dma_start3A_7, %dma_start3A_8] : memref<4x64xi32, #tpu.memory_space<vmem>> -> memref<1x64xi32, #tpu.memory_space<vmem>>
    %dma_start3A_10 = tpu.memref_squeeze %dma_start3A_9 : memref<1x64xi32, #tpu.memory_space<vmem>> -> memref<64xi32, #tpu.memory_space<vmem>>
    %dma_start3A_11 = tpu.memref_slice %arg2[%dma_start3A_6, %mul3A_2] : memref<4x2048xi32, #tpu.memory_space<hbm>> -> memref<1x64xi32, #tpu.memory_space<hbm>>
    %dma_start3A_12 = tpu.memref_squeeze %dma_start3A_11 : memref<1x64xi32, #tpu.memory_space<hbm>> -> memref<64xi32, #tpu.memory_space<hbm>>
    %dma_start3A_13 = arith.constant 0 : i32
    %dma_start3A_14 = tpu.memref_slice %arg6[%dma_start3A_7, %dma_start3A_13] : memref<4x64xi32, #tpu.memory_space<vmem>> -> memref<1x64xi32, #tpu.memory_space<vmem>>
    %dma_start3A_15 = tpu.memref_squeeze %dma_start3A_14 : memref<1x64xi32, #tpu.memory_space<vmem>> -> memref<64xi32, #tpu.memory_space<vmem>>
    %dma_start3A_16 = tpu.memref_slice %arg2[%dma_start3A_6, %mul3A_2] : memref<4x2048xi32, #tpu.memory_space<hbm>> -> memref<1x64xi32, #tpu.memory_space<hbm>>
    %dma_start3A_17 = tpu.memref_squeeze %dma_start3A_16 : memref<1x64xi32, #tpu.memory_space<hbm>> -> memref<64xi32, #tpu.memory_space<hbm>>
    tpu.enqueue_dma source(%dma_start3A_17 : memref<64xi32, #tpu.memory_space<hbm>>) target(%dma_start3A_15 : memref<64xi32, #tpu.memory_space<vmem>>) target_semaphore(%arg12 : memref<!tpu.dma_semaphore, #tpu.memory_space<semaphore_mem>>)
    %dma_start3A_18 = arith.constant 1 : i32
    %dma_start3A_19 = arith.constant 1 : i32
    %dma_start3A_20 = arith.constant 0 : i32
    %dma_start3A_21 = tpu.memref_slice %arg6[%dma_start3A_19, %dma_start3A_20] : memref<4x64xi32, #tpu.memory_space<vmem>> -> memref<1x64xi32, #tpu.memory_space<vmem>>
    %dma_start3A_22 = tpu.memref_squeeze %dma_start3A_21 : memref<1x64xi32, #tpu.memory_space<vmem>> -> memref<64xi32, #tpu.memory_space<vmem>>
    %dma_start3A_23 = tpu.memref_slice %arg2[%dma_start3A_18, %mul3A_2] : memref<4x2048xi32, #tpu.memory_space<hbm>> -> memref<1x64xi32, #tpu.memory_space<hbm>>
    %dma_start3A_24 = tpu.memref_squeeze %dma_start3A_23 : memref<1x64xi32, #tpu.memory_space<hbm>> -> memref<64xi32, #tpu.memory_space<hbm>>
    %dma_start3A_25 = arith.constant 0 : i32
    %dma_start3A_26 = tpu.memref_slice %arg6[%dma_start3A_19, %dma_start3A_25] : memref<4x64xi32, #tpu.memory_space<vmem>> -> memref<1x64xi32, #tpu.memory_space<vmem>>
    %dma_start3A_27 = tpu.memref_squeeze %dma_start3A_26 : memref<1x64xi32, #tpu.memory_space<vmem>> -> memref<64xi32, #tpu.memory_space<vmem>>
    %dma_start3A_28 = tpu.memref_slice %arg2[%dma_start3A_18, %mul3A_2] : memref<4x2048xi32, #tpu.memory_space<hbm>> -> memref<1x64xi32, #tpu.memory_space<hbm>>
    %dma_start3A_29 = tpu.memref_squeeze %dma_start3A_28 : memref<1x64xi32, #tpu.memory_space<hbm>> -> memref<64xi32, #tpu.memory_space<hbm>>
    tpu.enqueue_dma source(%dma_start3A_29 : memref<64xi32, #tpu.memory_space<hbm>>) target(%dma_start3A_27 : memref<64xi32, #tpu.memory_space<vmem>>) target_semaphore(%arg12 : memref<!tpu.dma_semaphore, #tpu.memory_space<semaphore_mem>>)
    %dma_start3A_30 = arith.constant 2 : i32
    %dma_start3A_31 = arith.constant 2 : i32
    %dma_start3A_32 = arith.constant 0 : i32
    %dma_start3A_33 = tpu.memref_slice %arg6[%dma_start3A_31, %dma_start3A_32] : memref<4x64xi32, #tpu.memory_space<vmem>> -> memref<1x64xi32, #tpu.memory_space<vmem>>
    %dma_start3A_34 = tpu.memref_squeeze %dma_start3A_33 : memref<1x64xi32, #tpu.memory_space<vmem>> -> memref<64xi32, #tpu.memory_space<vmem>>
    %dma_start3A_35 = tpu.memref_slice %arg2[%dma_start3A_30, %mul3A_2] : memref<4x2048xi32, #tpu.memory_space<hbm>> -> memref<1x64xi32, #tpu.memory_space<hbm>>
    %dma_start3A_36 = tpu.memref_squeeze %dma_start3A_35 : memref<1x64xi32, #tpu.memory_space<hbm>> -> memref<64xi32, #tpu.memory_space<hbm>>
    %dma_start3A_37 = arith.constant 0 : i32
    %dma_start3A_38 = tpu.memref_slice %arg6[%dma_start3A_31, %dma_start3A_37] : memref<4x64xi32, #tpu.memory_space<vmem>> -> memref<1x64xi32, #tpu.memory_space<vmem>>
    %dma_start3A_39 = tpu.memref_squeeze %dma_start3A_38 : memref<1x64xi32, #tpu.memory_space<vmem>> -> memref<64xi32, #tpu.memory_space<vmem>>
    %dma_start3A_40 = tpu.memref_slice %arg2[%dma_start3A_30, %mul3A_2] : memref<4x2048xi32, #tpu.memory_space<hbm>> -> memref<1x64xi32, #tpu.memory_space<hbm>>
    %dma_start3A_41 = tpu.memref_squeeze %dma_start3A_40 : memref<1x64xi32, #tpu.memory_space<hbm>> -> memref<64xi32, #tpu.memory_space<hbm>>
    tpu.enqueue_dma source(%dma_start3A_41 : memref<64xi32, #tpu.memory_space<hbm>>) target(%dma_start3A_39 : memref<64xi32, #tpu.memory_space<vmem>>) target_semaphore(%arg12 : memref<!tpu.dma_semaphore, #tpu.memory_space<semaphore_mem>>)
    %dma_start3A_42 = arith.constant 3 : i32
    %dma_start3A_43 = arith.constant 3 : i32
    %dma_start3A_44 = arith.constant 0 : i32
    %dma_start3A_45 = tpu.memref_slice %arg6[%dma_start3A_43, %dma_start3A_44] : memref<4x64xi32, #tpu.memory_space<vmem>> -> memref<1x64xi32, #tpu.memory_space<vmem>>
    %dma_start3A_46 = tpu.memref_squeeze %dma_start3A_45 : memref<1x64xi32, #tpu.memory_space<vmem>> -> memref<64xi32, #tpu.memory_space<vmem>>
    %dma_start3A_47 = tpu.memref_slice %arg2[%dma_start3A_42, %mul3A_2] : memref<4x2048xi32, #tpu.memory_space<hbm>> -> memref<1x64xi32, #tpu.memory_space<hbm>>
    %dma_start3A_48 = tpu.memref_squeeze %dma_start3A_47 : memref<1x64xi32, #tpu.memory_space<hbm>> -> memref<64xi32, #tpu.memory_space<hbm>>
    %dma_start3A_49 = arith.constant 0 : i32
    %dma_start3A_50 = tpu.memref_slice %arg6[%dma_start3A_43, %dma_start3A_49] : memref<4x64xi32, #tpu.memory_space<vmem>> -> memref<1x64xi32, #tpu.memory_space<vmem>>
    %dma_start3A_51 = tpu.memref_squeeze %dma_start3A_50 : memref<1x64xi32, #tpu.memory_space<vmem>> -> memref<64xi32, #tpu.memory_space<vmem>>
    %dma_start3A_52 = tpu.memref_slice %arg2[%dma_start3A_42, %mul3A_2] : memref<4x2048xi32, #tpu.memory_space<hbm>> -> memref<1x64xi32, #tpu.memory_space<hbm>>
    %dma_start3A_53 = tpu.memref_squeeze %dma_start3A_52 : memref<1x64xi32, #tpu.memory_space<hbm>> -> memref<64xi32, #tpu.memory_space<hbm>>
    tpu.enqueue_dma source(%dma_start3A_53 : memref<64xi32, #tpu.memory_space<hbm>>) target(%dma_start3A_51 : memref<64xi32, #tpu.memory_space<vmem>>) target_semaphore(%arg12 : memref<!tpu.dma_semaphore, #tpu.memory_space<semaphore_mem>>)
    %dma_wait3A = arith.constant 0 : i32
    %dma_wait3A_54 = arith.constant 0 : i32
    %dma_wait3A_55 = arith.constant 0 : i32
    %dma_wait3A_56 = tpu.memref_slice %arg6[%dma_wait3A_54, %dma_wait3A_55] : memref<4x64xi32, #tpu.memory_space<vmem>> -> memref<1x64xi32, #tpu.memory_space<vmem>>
    %dma_wait3A_57 = tpu.memref_squeeze %dma_wait3A_56 : memref<1x64xi32, #tpu.memory_space<vmem>> -> memref<64xi32, #tpu.memory_space<vmem>>
    %dma_wait3A_58 = tpu.memref_slice %arg2[%dma_wait3A, %mul3A_2] : memref<4x2048xi32, #tpu.memory_space<hbm>> -> memref<1x64xi32, #tpu.memory_space<hbm>>
    %dma_wait3A_59 = tpu.memref_squeeze %dma_wait3A_58 : memref<1x64xi32, #tpu.memory_space<hbm>> -> memref<64xi32, #tpu.memory_space<hbm>>
    %dma_wait3A_60 = arith.constant 0 : i32
    %dma_wait3A_61 = tpu.memref_slice %arg6[%dma_wait3A_54, %dma_wait3A_60] : memref<4x64xi32, #tpu.memory_space<vmem>> -> memref<1x64xi32, #tpu.memory_space<vmem>>
    %dma_wait3A_62 = tpu.memref_squeeze %dma_wait3A_61 : memref<1x64xi32, #tpu.memory_space<vmem>> -> memref<64xi32, #tpu.memory_space<vmem>>
    %dma_wait3A_63 = tpu.memref_slice %arg2[%dma_wait3A, %mul3A_2] : memref<4x2048xi32, #tpu.memory_space<hbm>> -> memref<1x64xi32, #tpu.memory_space<hbm>>
    %dma_wait3A_64 = tpu.memref_squeeze %dma_wait3A_63 : memref<1x64xi32, #tpu.memory_space<hbm>> -> memref<64xi32, #tpu.memory_space<hbm>>
    tpu.wait_dma2 semaphore(%arg12 : memref<!tpu.dma_semaphore, #tpu.memory_space<semaphore_mem>>) src(%dma_wait3A_64 : memref<64xi32, #tpu.memory_space<hbm>>) dst(%dma_wait3A_62 : memref<64xi32, #tpu.memory_space<vmem>>)
    %dma_wait3A_65 = arith.constant 1 : i32
    %dma_wait3A_66 = arith.constant 1 : i32
    %dma_wait3A_67 = arith.constant 0 : i32
    %dma_wait3A_68 = tpu.memref_slice %arg6[%dma_wait3A_66, %dma_wait3A_67] : memref<4x64xi32, #tpu.memory_space<vmem>> -> memref<1x64xi32, #tpu.memory_space<vmem>>
    %dma_wait3A_69 = tpu.memref_squeeze %dma_wait3A_68 : memref<1x64xi32, #tpu.memory_space<vmem>> -> memref<64xi32, #tpu.memory_space<vmem>>
    %dma_wait3A_70 = tpu.memref_slice %arg2[%dma_wait3A_65, %mul3A_2] : memref<4x2048xi32, #tpu.memory_space<hbm>> -> memref<1x64xi32, #tpu.memory_space<hbm>>
    %dma_wait3A_71 = tpu.memref_squeeze %dma_wait3A_70 : memref<1x64xi32, #tpu.memory_space<hbm>> -> memref<64xi32, #tpu.memory_space<hbm>>
    %dma_wait3A_72 = arith.constant 0 : i32
    %dma_wait3A_73 = tpu.memref_slice %arg6[%dma_wait3A_66, %dma_wait3A_72] : memref<4x64xi32, #tpu.memory_space<vmem>> -> memref<1x64xi32, #tpu.memory_space<vmem>>
    %dma_wait3A_74 = tpu.memref_squeeze %dma_wait3A_73 : memref<1x64xi32, #tpu.memory_space<vmem>> -> memref<64xi32, #tpu.memory_space<vmem>>
    %dma_wait3A_75 = tpu.memref_slice %arg2[%dma_wait3A_65, %mul3A_2] : memref<4x2048xi32, #tpu.memory_space<hbm>> -> memref<1x64xi32, #tpu.memory_space<hbm>>
    %dma_wait3A_76 = tpu.memref_squeeze %dma_wait3A_75 : memref<1x64xi32, #tpu.memory_space<hbm>> -> memref<64xi32, #tpu.memory_space<hbm>>
    tpu.wait_dma2 semaphore(%arg12 : memref<!tpu.dma_semaphore, #tpu.memory_space<semaphore_mem>>) src(%dma_wait3A_76 : memref<64xi32, #tpu.memory_space<hbm>>) dst(%dma_wait3A_74 : memref<64xi32, #tpu.memory_space<vmem>>)
    %dma_wait3A_77 = arith.constant 2 : i32
    %dma_wait3A_78 = arith.constant 2 : i32
    %dma_wait3A_79 = arith.constant 0 : i32
    %dma_wait3A_80 = tpu.memref_slice %arg6[%dma_wait3A_78, %dma_wait3A_79] : memref<4x64xi32, #tpu.memory_space<vmem>> -> memref<1x64xi32, #tpu.memory_space<vmem>>
    %dma_wait3A_81 = tpu.memref_squeeze %dma_wait3A_80 : memref<1x64xi32, #tpu.memory_space<vmem>> -> memref<64xi32, #tpu.memory_space<vmem>>
    %dma_wait3A_82 = tpu.memref_slice %arg2[%dma_wait3A_77, %mul3A_2] : memref<4x2048xi32, #tpu.memory_space<hbm>> -> memref<1x64xi32, #tpu.memory_space<hbm>>
    %dma_wait3A_83 = tpu.memref_squeeze %dma_wait3A_82 : memref<1x64xi32, #tpu.memory_space<hbm>> -> memref<64xi32, #tpu.memory_space<hbm>>
    %dma_wait3A_84 = arith.constant 0 : i32
    %dma_wait3A_85 = tpu.memref_slice %arg6[%dma_wait3A_78, %dma_wait3A_84] : memref<4x64xi32, #tpu.memory_space<vmem>> -> memref<1x64xi32, #tpu.memory_space<vmem>>
    %dma_wait3A_86 = tpu.memref_squeeze %dma_wait3A_85 : memref<1x64xi32, #tpu.memory_space<vmem>> -> memref<64xi32, #tpu.memory_space<vmem>>
    %dma_wait3A_87 = tpu.memref_slice %arg2[%dma_wait3A_77, %mul3A_2] : memref<4x2048xi32, #tpu.memory_space<hbm>> -> memref<1x64xi32, #tpu.memory_space<hbm>>
    %dma_wait3A_88 = tpu.memref_squeeze %dma_wait3A_87 : memref<1x64xi32, #tpu.memory_space<hbm>> -> memref<64xi32, #tpu.memory_space<hbm>>
    tpu.wait_dma2 semaphore(%arg12 : memref<!tpu.dma_semaphore, #tpu.memory_space<semaphore_mem>>) src(%dma_wait3A_88 : memref<64xi32, #tpu.memory_space<hbm>>) dst(%dma_wait3A_86 : memref<64xi32, #tpu.memory_space<vmem>>)
    %dma_wait3A_89 = arith.constant 3 : i32
    %dma_wait3A_90 = arith.constant 3 : i32
    %dma_wait3A_91 = arith.constant 0 : i32
    %dma_wait3A_92 = tpu.memref_slice %arg6[%dma_wait3A_90, %dma_wait3A_91] : memref<4x64xi32, #tpu.memory_space<vmem>> -> memref<1x64xi32, #tpu.memory_space<vmem>>
    %dma_wait3A_93 = tpu.memref_squeeze %dma_wait3A_92 : memref<1x64xi32, #tpu.memory_space<vmem>> -> memref<64xi32, #tpu.memory_space<vmem>>
    %dma_wait3A_94 = tpu.memref_slice %arg2[%dma_wait3A_89, %mul3A_2] : memref<4x2048xi32, #tpu.memory_space<hbm>> -> memref<1x64xi32, #tpu.memory_space<hbm>>
    %dma_wait3A_95 = tpu.memref_squeeze %dma_wait3A_94 : memref<1x64xi32, #tpu.memory_space<hbm>> -> memref<64xi32, #tpu.memory_space<hbm>>
    %dma_wait3A_96 = arith.constant 0 : i32
    %dma_wait3A_97 = tpu.memref_slice %arg6[%dma_wait3A_90, %dma_wait3A_96] : memref<4x64xi32, #tpu.memory_space<vmem>> -> memref<1x64xi32, #tpu.memory_space<vmem>>
    %dma_wait3A_98 = tpu.memref_squeeze %dma_wait3A_97 : memref<1x64xi32, #tpu.memory_space<vmem>> -> memref<64xi32, #tpu.memory_space<vmem>>
    %dma_wait3A_99 = tpu.memref_slice %arg2[%dma_wait3A_89, %mul3A_2] : memref<4x2048xi32, #tpu.memory_space<hbm>> -> memref<1x64xi32, #tpu.memory_space<hbm>>
    %dma_wait3A_100 = tpu.memref_squeeze %dma_wait3A_99 : memref<1x64xi32, #tpu.memory_space<hbm>> -> memref<64xi32, #tpu.memory_space<hbm>>
    tpu.wait_dma2 semaphore(%arg12 : memref<!tpu.dma_semaphore, #tpu.memory_space<semaphore_mem>>) src(%dma_wait3A_100 : memref<64xi32, #tpu.memory_space<hbm>>) dst(%dma_wait3A_98 : memref<64xi32, #tpu.memory_space<vmem>>)
    %scan3A = arith.constant 0 : i32
    %scan3A_101 = arith.constant 2 : i32
    %scan3A_102 = arith.addi %scan3A, %scan3A_101 : i32
    %scan3A_103 = arith.constant 1 : i32
    scf.for %scan3A_119 = %scan3A to %scan3A_102 step %scan3A_103  : i32 {
      %mul3A_120 = arith.constant 1 : i32
      %mul3A_121 = arith.muli %scan3A_119, %mul3A_120 : i32
      %add3A_122 = arith.constant 0 : i32
      %add3A_123 = arith.addi %add3A_122, %mul3A_121 : i32
      %jit3A = arith.constant 2 : i32
      %div3A = arith.divsi %add3A_123, %jit3A : i32
      %sign3A = arith.constant 0 : i32
      %sign3A_124 = arith.cmpi sgt, %add3A_123, %sign3A : i32
      %sign3A_125 = arith.extui %sign3A_124 : i1 to i32
      %sign3A_126 = arith.constant 0 : i32
      %sign3A_127 = arith.cmpi slt, %add3A_123, %sign3A_126 : i32
      %sign3A_128 = arith.extui %sign3A_127 : i1 to i32
      %sign3A_129 = arith.subi %sign3A_125, %sign3A_128 : i32
      %sign3A_130 = arith.constant 0 : i32
      %sign3A_131 = arith.cmpi sgt, %jit3A, %sign3A_130 : i32
      %sign3A_132 = arith.extui %sign3A_131 : i1 to i32
      %sign3A_133 = arith.constant 0 : i32
      %sign3A_134 = arith.cmpi slt, %jit3A, %sign3A_133 : i32
      %sign3A_135 = arith.extui %sign3A_134 : i1 to i32
      %sign3A_136 = arith.subi %sign3A_132, %sign3A_135 : i32
      %ne3A = arith.cmpi ne, %sign3A_129, %sign3A_136 : i32
      %rem3A = arith.remsi %add3A_123, %jit3A : i32
      %ne3A_137 = arith.constant 0 : i32
      %ne3A_138 = arith.cmpi ne, %rem3A, %ne3A_137 : i32
      %and3A = arith.andi %ne3A, %ne3A_138 : i1
      %sub3A = arith.constant 1 : i32
      %sub3A_139 = arith.subi %div3A, %sub3A : i32
      %select_n3A = arith.select %and3A, %sub3A_139, %div3A : i32
      %mul3A_140 = arith.constant 2 : i32
      %mul3A_141 = arith.muli %select_n3A, %mul3A_140 : i32
      %sub3A_142 = arith.subi %add3A_123, %mul3A_141 : i32
      %mul3A_143 = arith.constant 32 : i32
      %mul3A_144 = arith.muli %sub3A_142, %mul3A_143 : i32
      %rem3A_145 = arith.constant 5 : i32
      %rem3A_146 = arith.remsi %add3A_123, %rem3A_145 : i32
      %mul3A_147 = arith.constant 32 : i32
      %mul3A_148 = arith.muli %rem3A_146, %mul3A_147 : i32
      %rem3A_149 = arith.constant 5 : i32
      %rem3A_150 = arith.remsi %add3A_123, %rem3A_149 : i32
      %dma_start3A_151 = arith.constant 0 : i32
      %dma_start3A_152 = tpu.memref_slice %arg8[%mul3A_148, %dma_start3A_151] : memref<160x512xf32, #tpu.memory_space<vmem>> -> memref<32x512xf32, #tpu.memory_space<vmem>>
      %dma_start3A_153 = tpu.memref_slice %arg6[%select_n3A, %mul3A_144] : memref<4x64xi32, #tpu.memory_space<vmem>> -> memref<1x32xi32, #tpu.memory_space<vmem>>
      %dma_start3A_154 = tpu.memref_squeeze %dma_start3A_153 : memref<1x32xi32, #tpu.memory_space<vmem>> -> memref<32xi32, #tpu.memory_space<vmem>>
      %dma_start3A_155 = arith.constant 0 : i32
      %dma_start3A_156 = arith.constant 0 : i32
      %dma_start3A_157 = tpu.memref_slice %arg3[%dma_start3A_155, %dma_start3A_156] : memref<50257x512xf32, #tpu.memory_space<hbm>> -> memref<50257x512xf32, #tpu.memory_space<hbm>>
      %dma_start3A_158 = tpu.memref_slice %arg9[%rem3A_150] : memref<5x!tpu.dma_semaphore, #tpu.memory_space<semaphore_mem>> -> memref<1x!tpu.dma_semaphore, #tpu.memory_space<semaphore_mem>>
      %dma_start3A_159 = tpu.memref_squeeze %dma_start3A_158 : memref<1x!tpu.dma_semaphore, #tpu.memory_space<semaphore_mem>> -> memref<!tpu.dma_semaphore, #tpu.memory_space<semaphore_mem>>
      tpu.enqueue_indirect_dma source(%dma_start3A_157 : memref<50257x512xf32, #tpu.memory_space<hbm>>) target(%dma_start3A_152 : memref<32x512xf32, #tpu.memory_space<vmem>>) offsets(%dma_start3A_154 : memref<32xi32, #tpu.memory_space<vmem>>) semaphore(%dma_start3A_159 : memref<!tpu.dma_semaphore, #tpu.memory_space<semaphore_mem>>)
    }
    %scan3A_104 = arith.constant 2 : i32
    %dma_wait3A_105 = arith.constant 0 : i32
    %dma_wait3A_106 = tpu.memref_slice %arg4[%mul3A_2, %dma_wait3A_105] : memref<2048x512xf32, #tpu.memory_space<hbm>> -> memref<64x512xf32, #tpu.memory_space<hbm>>
    %dma_wait3A_107 = arith.constant 0 : i32
    %dma_wait3A_108 = tpu.memref_slice %arg4[%mul3A_2, %dma_wait3A_107] : memref<2048x512xf32, #tpu.memory_space<hbm>> -> memref<64x512xf32, #tpu.memory_space<hbm>>
    tpu.wait_dma2 semaphore(%arg11 : memref<!tpu.dma_semaphore, #tpu.memory_space<semaphore_mem>>) src(%dma_wait3A_108 : memref<64x512xf32, #tpu.memory_space<hbm>>) dst(%arg7 : memref<64x512xf32, #tpu.memory_space<vmem>>)
    %scan3A_109 = arith.constant 0 : i32
    %scan3A_110 = arith.constant 8 : i32
    %scan3A_111 = arith.addi %scan3A_109, %scan3A_110 : i32
    %scan3A_112 = arith.constant 1 : i32
    scf.for %scan3A_119 = %scan3A_109 to %scan3A_111 step %scan3A_112  : i32 {
      %mul3A_120 = arith.constant 1 : i32
      %mul3A_121 = arith.muli %scan3A_119, %mul3A_120 : i32
      %add3A_122 = arith.constant 0 : i32
      %add3A_123 = arith.addi %add3A_122, %mul3A_121 : i32
      %add3A_124 = arith.constant 2 : i32
      %add3A_125 = arith.addi %add3A_123, %add3A_124 : i32
      %lt3A = arith.constant 8 : i32
      %lt3A_126 = arith.cmpi slt, %add3A_125, %lt3A : i32
      %convert_element_type3A = arith.extui %lt3A_126 : i1 to i32
      %cond3A = arith.constant 0 : i32
      %cond3A_127 = arith.cmpi ne, %convert_element_type3A, %cond3A : i32
      scf.if %cond3A_127 {
        %ge3A = arith.constant 5 : i32
        %ge3A_218 = arith.cmpi sge, %add3A_125, %ge3A : i32
        %convert_element_type3A_219 = arith.extui %ge3A_218 : i1 to i32
        %cond3A_220 = arith.constant 0 : i32
        %cond3A_221 = arith.cmpi ne, %convert_element_type3A_219, %cond3A_220 : i32
        scf.if %cond3A_221 {
          %rem3A_266 = arith.constant 5 : i32
          %rem3A_267 = arith.remsi %add3A_125, %rem3A_266 : i32
          %dma_wait3A_268 = arith.constant 0 : i32
          %dma_wait3A_269 = arith.constant 0 : i32
          %dma_wait3A_270 = tpu.memref_slice %arg8[%dma_wait3A_268, %dma_wait3A_269] : memref<160x512xf32, #tpu.memory_space<vmem>> -> memref<32x512xf32, #tpu.memory_space<vmem>>
          %dma_wait3A_271 = arith.constant 0 : i32
          %dma_wait3A_272 = arith.constant 0 : i32
          %dma_wait3A_273 = tpu.memref_slice %arg5[%dma_wait3A_271, %dma_wait3A_272] : memref<8192x512xf32, #tpu.memory_space<hbm>> -> memref<32x512xf32, #tpu.memory_space<hbm>>
          %dma_wait3A_274 = tpu.memref_slice %arg10[%rem3A_267] : memref<5x!tpu.dma_semaphore, #tpu.memory_space<semaphore_mem>> -> memref<1x!tpu.dma_semaphore, #tpu.memory_space<semaphore_mem>>
          %dma_wait3A_275 = tpu.memref_squeeze %dma_wait3A_274 : memref<1x!tpu.dma_semaphore, #tpu.memory_space<semaphore_mem>> -> memref<!tpu.dma_semaphore, #tpu.memory_space<semaphore_mem>>
          %dma_wait3A_276 = arith.constant 0 : i32
          %dma_wait3A_277 = arith.constant 0 : i32
          %dma_wait3A_278 = tpu.memref_slice %arg8[%dma_wait3A_276, %dma_wait3A_277] : memref<160x512xf32, #tpu.memory_space<vmem>> -> memref<32x512xf32, #tpu.memory_space<vmem>>
          %dma_wait3A_279 = arith.constant 0 : i32
          %dma_wait3A_280 = arith.constant 0 : i32
          %dma_wait3A_281 = tpu.memref_slice %arg5[%dma_wait3A_279, %dma_wait3A_280] : memref<8192x512xf32, #tpu.memory_space<hbm>> -> memref<32x512xf32, #tpu.memory_space<hbm>>
          tpu.wait_dma2 semaphore(%dma_wait3A_275 : memref<!tpu.dma_semaphore, #tpu.memory_space<semaphore_mem>>) src(%dma_wait3A_281 : memref<32x512xf32, #tpu.memory_space<hbm>>) dst(%dma_wait3A_278 : memref<32x512xf32, #tpu.memory_space<vmem>>)
        } else {
        }
        %jit3A_222 = arith.constant 2 : i32
        %div3A_223 = arith.divsi %add3A_125, %jit3A_222 : i32
        %sign3A_224 = arith.constant 0 : i32
        %sign3A_225 = arith.cmpi sgt, %add3A_125, %sign3A_224 : i32
        %sign3A_226 = arith.extui %sign3A_225 : i1 to i32
        %sign3A_227 = arith.constant 0 : i32
        %sign3A_228 = arith.cmpi slt, %add3A_125, %sign3A_227 : i32
        %sign3A_229 = arith.extui %sign3A_228 : i1 to i32
        %sign3A_230 = arith.subi %sign3A_226, %sign3A_229 : i32
        %sign3A_231 = arith.constant 0 : i32
        %sign3A_232 = arith.cmpi sgt, %jit3A_222, %sign3A_231 : i32
        %sign3A_233 = arith.extui %sign3A_232 : i1 to i32
        %sign3A_234 = arith.constant 0 : i32
        %sign3A_235 = arith.cmpi slt, %jit3A_222, %sign3A_234 : i32
        %sign3A_236 = arith.extui %sign3A_235 : i1 to i32
        %sign3A_237 = arith.subi %sign3A_233, %sign3A_236 : i32
        %ne3A_238 = arith.cmpi ne, %sign3A_230, %sign3A_237 : i32
        %rem3A_239 = arith.remsi %add3A_125, %jit3A_222 : i32
        %ne3A_240 = arith.constant 0 : i32
        %ne3A_241 = arith.cmpi ne, %rem3A_239, %ne3A_240 : i32
        %and3A_242 = arith.andi %ne3A_238, %ne3A_241 : i1
        %sub3A_243 = arith.constant 1 : i32
        %sub3A_244 = arith.subi %div3A_223, %sub3A_243 : i32
        %select_n3A_245 = arith.select %and3A_242, %sub3A_244, %div3A_223 : i32
        %mul3A_246 = arith.constant 2 : i32
        %mul3A_247 = arith.muli %select_n3A_245, %mul3A_246 : i32
        %sub3A_248 = arith.subi %add3A_125, %mul3A_247 : i32
        %mul3A_249 = arith.constant 32 : i32
        %mul3A_250 = arith.muli %sub3A_248, %mul3A_249 : i32
        %rem3A_251 = arith.constant 5 : i32
        %rem3A_252 = arith.remsi %add3A_125, %rem3A_251 : i32
        %mul3A_253 = arith.constant 32 : i32
        %mul3A_254 = arith.muli %rem3A_252, %mul3A_253 : i32
        %rem3A_255 = arith.constant 5 : i32
        %rem3A_256 = arith.remsi %add3A_125, %rem3A_255 : i32
        %dma_start3A_257 = arith.constant 0 : i32
        %dma_start3A_258 = tpu.memref_slice %arg8[%mul3A_254, %dma_start3A_257] : memref<160x512xf32, #tpu.memory_space<vmem>> -> memref<32x512xf32, #tpu.memory_space<vmem>>
        %dma_start3A_259 = tpu.memref_slice %arg6[%select_n3A_245, %mul3A_250] : memref<4x64xi32, #tpu.memory_space<vmem>> -> memref<1x32xi32, #tpu.memory_space<vmem>>
        %dma_start3A_260 = tpu.memref_squeeze %dma_start3A_259 : memref<1x32xi32, #tpu.memory_space<vmem>> -> memref<32xi32, #tpu.memory_space<vmem>>
        %dma_start3A_261 = arith.constant 0 : i32
        %dma_start3A_262 = arith.constant 0 : i32
        %dma_start3A_263 = tpu.memref_slice %arg3[%dma_start3A_261, %dma_start3A_262] : memref<50257x512xf32, #tpu.memory_space<hbm>> -> memref<50257x512xf32, #tpu.memory_space<hbm>>
        %dma_start3A_264 = tpu.memref_slice %arg9[%rem3A_256] : memref<5x!tpu.dma_semaphore, #tpu.memory_space<semaphore_mem>> -> memref<1x!tpu.dma_semaphore, #tpu.memory_space<semaphore_mem>>
        %dma_start3A_265 = tpu.memref_squeeze %dma_start3A_264 : memref<1x!tpu.dma_semaphore, #tpu.memory_space<semaphore_mem>> -> memref<!tpu.dma_semaphore, #tpu.memory_space<semaphore_mem>>
        tpu.enqueue_indirect_dma source(%dma_start3A_263 : memref<50257x512xf32, #tpu.memory_space<hbm>>) target(%dma_start3A_258 : memref<32x512xf32, #tpu.memory_space<vmem>>) offsets(%dma_start3A_260 : memref<32xi32, #tpu.memory_space<vmem>>) semaphore(%dma_start3A_265 : memref<!tpu.dma_semaphore, #tpu.memory_space<semaphore_mem>>)
      } else {
      }
      %rem3A = arith.constant 5 : i32
      %rem3A_128 = arith.remsi %add3A_123, %rem3A : i32
      %dma_wait3A_129 = arith.constant 0 : i32
      %dma_wait3A_130 = arith.constant 0 : i32
      %dma_wait3A_131 = tpu.memref_slice %arg8[%dma_wait3A_129, %dma_wait3A_130] : memref<160x512xf32, #tpu.memory_space<vmem>> -> memref<32x512xf32, #tpu.memory_space<vmem>>
      %dma_wait3A_132 = arith.constant 0 : i32
      %dma_wait3A_133 = arith.constant 0 : i32
      %dma_wait3A_134 = tpu.memref_slice %arg5[%dma_wait3A_132, %dma_wait3A_133] : memref<8192x512xf32, #tpu.memory_space<hbm>> -> memref<32x512xf32, #tpu.memory_space<hbm>>
      %dma_wait3A_135 = tpu.memref_slice %arg9[%rem3A_128] : memref<5x!tpu.dma_semaphore, #tpu.memory_space<semaphore_mem>> -> memref<1x!tpu.dma_semaphore, #tpu.memory_space<semaphore_mem>>
      %dma_wait3A_136 = tpu.memref_squeeze %dma_wait3A_135 : memref<1x!tpu.dma_semaphore, #tpu.memory_space<semaphore_mem>> -> memref<!tpu.dma_semaphore, #tpu.memory_space<semaphore_mem>>
      %dma_wait3A_137 = arith.constant 0 : i32
      %dma_wait3A_138 = arith.constant 0 : i32
      %dma_wait3A_139 = tpu.memref_slice %arg8[%dma_wait3A_137, %dma_wait3A_138] : memref<160x512xf32, #tpu.memory_space<vmem>> -> memref<32x512xf32, #tpu.memory_space<vmem>>
      %dma_wait3A_140 = arith.constant 0 : i32
      %dma_wait3A_141 = arith.constant 0 : i32
      %dma_wait3A_142 = tpu.memref_slice %arg5[%dma_wait3A_140, %dma_wait3A_141] : memref<8192x512xf32, #tpu.memory_space<hbm>> -> memref<32x512xf32, #tpu.memory_space<hbm>>
      tpu.wait_dma2 semaphore(%dma_wait3A_136 : memref<!tpu.dma_semaphore, #tpu.memory_space<semaphore_mem>>) src(%dma_wait3A_142 : memref<32x512xf32, #tpu.memory_space<hbm>>) dst(%dma_wait3A_139 : memref<32x512xf32, #tpu.memory_space<vmem>>)
      %rem3A_143 = arith.constant 5 : i32
      %rem3A_144 = arith.remsi %add3A_123, %rem3A_143 : i32
      %mul3A_145 = arith.constant 32 : i32
      %mul3A_146 = arith.muli %rem3A_144, %mul3A_145 : i32
      %jit3A = arith.constant 2 : i32
      %div3A = arith.divsi %add3A_123, %jit3A : i32
      %sign3A = arith.constant 0 : i32
      %sign3A_147 = arith.cmpi sgt, %add3A_123, %sign3A : i32
      %sign3A_148 = arith.extui %sign3A_147 : i1 to i32
      %sign3A_149 = arith.constant 0 : i32
      %sign3A_150 = arith.cmpi slt, %add3A_123, %sign3A_149 : i32
      %sign3A_151 = arith.extui %sign3A_150 : i1 to i32
      %sign3A_152 = arith.subi %sign3A_148, %sign3A_151 : i32
      %sign3A_153 = arith.constant 0 : i32
      %sign3A_154 = arith.cmpi sgt, %jit3A, %sign3A_153 : i32
      %sign3A_155 = arith.extui %sign3A_154 : i1 to i32
      %sign3A_156 = arith.constant 0 : i32
      %sign3A_157 = arith.cmpi slt, %jit3A, %sign3A_156 : i32
      %sign3A_158 = arith.extui %sign3A_157 : i1 to i32
      %sign3A_159 = arith.subi %sign3A_155, %sign3A_158 : i32
      %ne3A = arith.cmpi ne, %sign3A_152, %sign3A_159 : i32
      %rem3A_160 = arith.remsi %add3A_123, %jit3A : i32
      %ne3A_161 = arith.constant 0 : i32
      %ne3A_162 = arith.cmpi ne, %rem3A_160, %ne3A_161 : i32
      %and3A = arith.andi %ne3A, %ne3A_162 : i1
      %sub3A = arith.constant 1 : i32
      %sub3A_163 = arith.subi %div3A, %sub3A : i32
      %select_n3A = arith.select %and3A, %sub3A_163, %div3A : i32
      %mul3A_164 = arith.constant 2 : i32
      %mul3A_165 = arith.muli %select_n3A, %mul3A_164 : i32
      %sub3A_166 = arith.subi %add3A_123, %mul3A_165 : i32
      %parallel_loop3A = arith.constant 0 : i32
      %parallel_loop3A_167 = arith.constant 32 : i32
      %parallel_loop3A_168 = arith.constant 1 : i32
      scf.for %parallel_loop3A_218 = %parallel_loop3A to %parallel_loop3A_167 step %parallel_loop3A_168  : i32 {
        %parallel_loop3A_219 = arith.addi %mul3A_146, %parallel_loop3A_218 : i32
        %parallel_loop3A_220 = arith.constant 32 : i32
        %parallel_loop3A_221 = arith.muli %sub3A_166, %parallel_loop3A_220 : i32
        %parallel_loop3A_222 = arith.addi %parallel_loop3A_221, %parallel_loop3A_218 : i32
        %parallel_loop3A_223 = arith.index_cast %parallel_loop3A_222 : i32 to index
        %parallel_loop3A_224 = arith.constant 0 : index
        %parallel_loop3A_225 = tpu.vector_load %arg7[%parallel_loop3A_223, %parallel_loop3A_224] {strides = array<i32>} : memref<64x512xf32, #tpu.memory_space<vmem>>, vector<1x16xf32>,
        %parallel_loop3A_226 = vector.shape_cast %parallel_loop3A_225 : vector<1x16xf32> to vector<16xf32>
        %parallel_loop3A_227 = arith.index_cast %parallel_loop3A_219 : i32 to index
        %parallel_loop3A_228 = arith.constant 0 : index
        %parallel_loop3A_229 = tpu.vector_load %arg8[%parallel_loop3A_227, %parallel_loop3A_228] {strides = array<i32>} : memref<160x512xf32, #tpu.memory_space<vmem>>, vector<1x16xf32>,
        %parallel_loop3A_230 = vector.shape_cast %parallel_loop3A_229 : vector<1x16xf32> to vector<16xf32>
        %parallel_loop3A_231 = vector.shape_cast %parallel_loop3A_226 : vector<16xf32> to vector<1x16xf32>
        tpu.vector_store %arg8[%parallel_loop3A_227, %parallel_loop3A_228], %parallel_loop3A_231 {add = true, strides = array<i32>} : memref<160x512xf32, #tpu.memory_space<vmem>>, vector<1x16xf32>,
        %parallel_loop3A_232 = arith.addi %mul3A_146, %parallel_loop3A_218 : i32
        %parallel_loop3A_233 = arith.constant 32 : i32
        %parallel_loop3A_234 = arith.muli %sub3A_166, %parallel_loop3A_233 : i32
        %parallel_loop3A_235 = arith.addi %parallel_loop3A_234, %parallel_loop3A_218 : i32
        %parallel_loop3A_236 = arith.index_cast %parallel_loop3A_235 : i32 to index
        %parallel_loop3A_237 = arith.constant 16 : index
        %parallel_loop3A_238 = tpu.vector_load %arg7[%parallel_loop3A_236, %parallel_loop3A_237] {strides = array<i32>} : memref<64x512xf32, #tpu.memory_space<vmem>>, vector<1x16xf32>,
        %parallel_loop3A_239 = vector.shape_cast %parallel_loop3A_238 : vector<1x16xf32> to vector<16xf32>
        %parallel_loop3A_240 = arith.index_cast %parallel_loop3A_232 : i32 to index
        %parallel_loop3A_241 = arith.constant 16 : index
        %parallel_loop3A_242 = tpu.vector_load %arg8[%parallel_loop3A_240, %parallel_loop3A_241] {strides = array<i32>} : memref<160x512xf32, #tpu.memory_space<vmem>>, vector<1x16xf32>,
        %parallel_loop3A_243 = vector.shape_cast %parallel_loop3A_242 : vector<1x16xf32> to vector<16xf32>
        %parallel_loop3A_244 = vector.shape_cast %parallel_loop3A_239 : vector<16xf32> to vector<1x16xf32>
        tpu.vector_store %arg8[%parallel_loop3A_240, %parallel_loop3A_241], %parallel_loop3A_244 {add = true, strides = array<i32>} : memref<160x512xf32, #tpu.memory_space<vmem>>, vector<1x16xf32>,
        %parallel_loop3A_245 = arith.addi %mul3A_146, %parallel_loop3A_218 : i32
        %parallel_loop3A_246 = arith.constant 32 : i32
        %parallel_loop3A_247 = arith.muli %sub3A_166, %parallel_loop3A_246 : i32
        %parallel_loop3A_248 = arith.addi %parallel_loop3A_247, %parallel_loop3A_218 : i32
        %parallel_loop3A_249 = arith.index_cast %parallel_loop3A_248 : i32 to index
        %parallel_loop3A_250 = arith.constant 32 : index
        %parallel_loop3A_251 = tpu.vector_load %arg7[%parallel_loop3A_249, %parallel_loop3A_250] {strides = array<i32>} : memref<64x512xf32, #tpu.memory_space<vmem>>, vector<1x16xf32>,
        %parallel_loop3A_252 = vector.shape_cast %parallel_loop3A_251 : vector<1x16xf32> to vector<16xf32>
        %parallel_loop3A_253 = arith.index_cast %parallel_loop3A_245 : i32 to index
        %parallel_loop3A_254 = arith.constant 32 : index
        %parallel_loop3A_255 = tpu.vector_load %arg8[%parallel_loop3A_253, %parallel_loop3A_254] {strides = array<i32>} : memref<160x512xf32, #tpu.memory_space<vmem>>, vector<1x16xf32>,
        %parallel_loop3A_256 = vector.shape_cast %parallel_loop3A_255 : vector<1x16xf32> to vector<16xf32>
        %parallel_loop3A_257 = vector.shape_cast %parallel_loop3A_252 : vector<16xf32> to vector<1x16xf32>
        tpu.vector_store %arg8[%parallel_loop3A_253, %parallel_loop3A_254], %parallel_loop3A_257 {add = true, strides = array<i32>} : memref<160x512xf32, #tpu.memory_space<vmem>>, vector<1x16xf32>,
        %parallel_loop3A_258 = arith.addi %mul3A_146, %parallel_loop3A_218 : i32
        %parallel_loop3A_259 = arith.constant 32 : i32
        %parallel_loop3A_260 = arith.muli %sub3A_166, %parallel_loop3A_259 : i32
        %parallel_loop3A_261 = arith.addi %parallel_loop3A_260, %parallel_loop3A_218 : i32
        %parallel_loop3A_262 = arith.index_cast %parallel_loop3A_261 : i32 to index
        %parallel_loop3A_263 = arith.constant 48 : index
        %parallel_loop3A_264 = tpu.vector_load %arg7[%parallel_loop3A_262, %parallel_loop3A_263] {strides = array<i32>} : memref<64x512xf32, #tpu.memory_space<vmem>>, vector<1x16xf32>,
        %parallel_loop3A_265 = vector.shape_cast %parallel_loop3A_264 : vector<1x16xf32> to vector<16xf32>
        %parallel_loop3A_266 = arith.index_cast %parallel_loop3A_258 : i32 to index
        %parallel_loop3A_267 = arith.constant 48 : index
        %parallel_loop3A_268 = tpu.vector_load %arg8[%parallel_loop3A_266, %parallel_loop3A_267] {strides = array<i32>} : memref<160x512xf32, #tpu.memory_space<vmem>>, vector<1x16xf32>,
        %parallel_loop3A_269 = vector.shape_cast %parallel_loop3A_268 : vector<1x16xf32> to vector<16xf32>
        %parallel_loop3A_270 = vector.shape_cast %parallel_loop3A_265 : vector<16xf32> to vector<1x16xf32>
        tpu.vector_store %arg8[%parallel_loop3A_266, %parallel_loop3A_267], %parallel_loop3A_270 {add = true, strides = array<i32>} : memref<160x512xf32, #tpu.memory_space<vmem>>, vector<1x16xf32>,
        %parallel_loop3A_271 = arith.addi %mul3A_146, %parallel_loop3A_218 : i32
        %parallel_loop3A_272 = arith.constant 32 : i32
        %parallel_loop3A_273 = arith.muli %sub3A_166, %parallel_loop3A_272 : i32
        %parallel_loop3A_274 = arith.addi %parallel_loop3A_273, %parallel_loop3A_218 : i32
        %parallel_loop3A_275 = arith.index_cast %parallel_loop3A_274 : i32 to index
        %parallel_loop3A_276 = arith.constant 64 : index
        %parallel_loop3A_277 = tpu.vector_load %arg7[%parallel_loop3A_275, %parallel_loop3A_276] {strides = array<i32>} : memref<64x512xf32, #tpu.memory_space<vmem>>, vector<1x16xf32>,
        %parallel_loop3A_278 = vector.shape_cast %parallel_loop3A_277 : vector<1x16xf32> to vector<16xf32>
        %parallel_loop3A_279 = arith.index_cast %parallel_loop3A_271 : i32 to index
        %parallel_loop3A_280 = arith.constant 64 : index
        %parallel_loop3A_281 = tpu.vector_load %arg8[%parallel_loop3A_279, %parallel_loop3A_280] {strides = array<i32>} : memref<160x512xf32, #tpu.memory_space<vmem>>, vector<1x16xf32>,
        %parallel_loop3A_282 = vector.shape_cast %parallel_loop3A_281 : vector<1x16xf32> to vector<16xf32>
        %parallel_loop3A_283 = vector.shape_cast %parallel_loop3A_278 : vector<16xf32> to vector<1x16xf32>
        tpu.vector_store %arg8[%parallel_loop3A_279, %parallel_loop3A_280], %parallel_loop3A_283 {add = true, strides = array<i32>} : memref<160x512xf32, #tpu.memory_space<vmem>>, vector<1x16xf32>,
        %parallel_loop3A_284 = arith.addi %mul3A_146, %parallel_loop3A_218 : i32
        %parallel_loop3A_285 = arith.constant 32 : i32
        %parallel_loop3A_286 = arith.muli %sub3A_166, %parallel_loop3A_285 : i32
        %parallel_loop3A_287 = arith.addi %parallel_loop3A_286, %parallel_loop3A_218 : i32
        %parallel_loop3A_288 = arith.index_cast %parallel_loop3A_287 : i32 to index
        %parallel_loop3A_289 = arith.constant 80 : index
        %parallel_loop3A_290 = tpu.vector_load %arg7[%parallel_loop3A_288, %parallel_loop3A_289] {strides = array<i32>} : memref<64x512xf32, #tpu.memory_space<vmem>>, vector<1x16xf32>,
        %parallel_loop3A_291 = vector.shape_cast %parallel_loop3A_290 : vector<1x16xf32> to vector<16xf32>
        %parallel_loop3A_292 = arith.index_cast %parallel_loop3A_284 : i32 to index
        %parallel_loop3A_293 = arith.constant 80 : index
        %parallel_loop3A_294 = tpu.vector_load %arg8[%parallel_loop3A_292, %parallel_loop3A_293] {strides = array<i32>} : memref<160x512xf32, #tpu.memory_space<vmem>>, vector<1x16xf32>,
        %parallel_loop3A_295 = vector.shape_cast %parallel_loop3A_294 : vector<1x16xf32> to vector<16xf32>
        %parallel_loop3A_296 = vector.shape_cast %parallel_loop3A_291 : vector<16xf32> to vector<1x16xf32>
        tpu.vector_store %arg8[%parallel_loop3A_292, %parallel_loop3A_293], %parallel_loop3A_296 {add = true, strides = array<i32>} : memref<160x512xf32, #tpu.memory_space<vmem>>, vector<1x16xf32>,
        %parallel_loop3A_297 = arith.addi %mul3A_146, %parallel_loop3A_218 : i32
        %parallel_loop3A_298 = arith.constant 32 : i32
        %parallel_loop3A_299 = arith.muli %sub3A_166, %parallel_loop3A_298 : i32
        %parallel_loop3A_300 = arith.addi %parallel_loop3A_299, %parallel_loop3A_218 : i32
        %parallel_loop3A_301 = arith.index_cast %parallel_loop3A_300 : i32 to index
        %parallel_loop3A_302 = arith.constant 96 : index
        %parallel_loop3A_303 = tpu.vector_load %arg7[%parallel_loop3A_301, %parallel_loop3A_302] {strides = array<i32>} : memref<64x512xf32, #tpu.memory_space<vmem>>, vector<1x16xf32>,
        %parallel_loop3A_304 = vector.shape_cast %parallel_loop3A_303 : vector<1x16xf32> to vector<16xf32>
        %parallel_loop3A_305 = arith.index_cast %parallel_loop3A_297 : i32 to index
        %parallel_loop3A_306 = arith.constant 96 : index
        %parallel_loop3A_307 = tpu.vector_load %arg8[%parallel_loop3A_305, %parallel_loop3A_306] {strides = array<i32>} : memref<160x512xf32, #tpu.memory_space<vmem>>, vector<1x16xf32>,
        %parallel_loop3A_308 = vector.shape_cast %parallel_loop3A_307 : vector<1x16xf32> to vector<16xf32>
        %parallel_loop3A_309 = vector.shape_cast %parallel_loop3A_304 : vector<16xf32> to vector<1x16xf32>
        tpu.vector_store %arg8[%parallel_loop3A_305, %parallel_loop3A_306], %parallel_loop3A_309 {add = true, strides = array<i32>} : memref<160x512xf32, #tpu.memory_space<vmem>>, vector<1x16xf32>,
        %parallel_loop3A_310 = arith.addi %mul3A_146, %parallel_loop3A_218 : i32
        %parallel_loop3A_311 = arith.constant 32 : i32
        %parallel_loop3A_312 = arith.muli %sub3A_166, %parallel_loop3A_311 : i32
        %parallel_loop3A_313 = arith.addi %parallel_loop3A_312, %parallel_loop3A_218 : i32
        %parallel_loop3A_314 = arith.index_cast %parallel_loop3A_313 : i32 to index
        %parallel_loop3A_315 = arith.constant 112 : index
        %parallel_loop3A_316 = tpu.vector_load %arg7[%parallel_loop3A_314, %parallel_loop3A_315] {strides = array<i32>} : memref<64x512xf32, #tpu.memory_space<vmem>>, vector<1x16xf32>,
        %parallel_loop3A_317 = vector.shape_cast %parallel_loop3A_316 : vector<1x16xf32> to vector<16xf32>
        %parallel_loop3A_318 = arith.index_cast %parallel_loop3A_310 : i32 to index
        %parallel_loop3A_319 = arith.constant 112 : index
        %parallel_loop3A_320 = tpu.vector_load %arg8[%parallel_loop3A_318, %parallel_loop3A_319] {strides = array<i32>} : memref<160x512xf32, #tpu.memory_space<vmem>>, vector<1x16xf32>,
        %parallel_loop3A_321 = vector.shape_cast %parallel_loop3A_320 : vector<1x16xf32> to vector<16xf32>
        %parallel_loop3A_322 = vector.shape_cast %parallel_loop3A_317 : vector<16xf32> to vector<1x16xf32>
        tpu.vector_store %arg8[%parallel_loop3A_318, %parallel_loop3A_319], %parallel_loop3A_322 {add = true, strides = array<i32>} : memref<160x512xf32, #tpu.memory_space<vmem>>, vector<1x16xf32>,
        %parallel_loop3A_323 = arith.addi %mul3A_146, %parallel_loop3A_218 : i32
        %parallel_loop3A_324 = arith.constant 32 : i32
        %parallel_loop3A_325 = arith.muli %sub3A_166, %parallel_loop3A_324 : i32
        %parallel_loop3A_326 = arith.addi %parallel_loop3A_325, %parallel_loop3A_218 : i32
        %parallel_loop3A_327 = arith.index_cast %parallel_loop3A_326 : i32 to index
        %parallel_loop3A_328 = arith.constant 128 : index
        %parallel_loop3A_329 = tpu.vector_load %arg7[%parallel_loop3A_327, %parallel_loop3A_328] {strides = array<i32>} : memref<64x512xf32, #tpu.memory_space<vmem>>, vector<1x16xf32>,
        %parallel_loop3A_330 = vector.shape_cast %parallel_loop3A_329 : vector<1x16xf32> to vector<16xf32>
        %parallel_loop3A_331 = arith.index_cast %parallel_loop3A_323 : i32 to index
        %parallel_loop3A_332 = arith.constant 128 : index
        %parallel_loop3A_333 = tpu.vector_load %arg8[%parallel_loop3A_331, %parallel_loop3A_332] {strides = array<i32>} : memref<160x512xf32, #tpu.memory_space<vmem>>, vector<1x16xf32>,
        %parallel_loop3A_334 = vector.shape_cast %parallel_loop3A_333 : vector<1x16xf32> to vector<16xf32>
        %parallel_loop3A_335 = vector.shape_cast %parallel_loop3A_330 : vector<16xf32> to vector<1x16xf32>
        tpu.vector_store %arg8[%parallel_loop3A_331, %parallel_loop3A_332], %parallel_loop3A_335 {add = true, strides = array<i32>} : memref<160x512xf32, #tpu.memory_space<vmem>>, vector<1x16xf32>,
        %parallel_loop3A_336 = arith.addi %mul3A_146, %parallel_loop3A_218 : i32
        %parallel_loop3A_337 = arith.constant 32 : i32
        %parallel_loop3A_338 = arith.muli %sub3A_166, %parallel_loop3A_337 : i32
        %parallel_loop3A_339 = arith.addi %parallel_loop3A_338, %parallel_loop3A_218 : i32
        %parallel_loop3A_340 = arith.index_cast %parallel_loop3A_339 : i32 to index
        %parallel_loop3A_341 = arith.constant 144 : index
        %parallel_loop3A_342 = tpu.vector_load %arg7[%parallel_loop3A_340, %parallel_loop3A_341] {strides = array<i32>} : memref<64x512xf32, #tpu.memory_space<vmem>>, vector<1x16xf32>,
        %parallel_loop3A_343 = vector.shape_cast %parallel_loop3A_342 : vector<1x16xf32> to vector<16xf32>
        %parallel_loop3A_344 = arith.index_cast %parallel_loop3A_336 : i32 to index
        %parallel_loop3A_345 = arith.constant 144 : index
        %parallel_loop3A_346 = tpu.vector_load %arg8[%parallel_loop3A_344, %parallel_loop3A_345] {strides = array<i32>} : memref<160x512xf32, #tpu.memory_space<vmem>>, vector<1x16xf32>,
        %parallel_loop3A_347 = vector.shape_cast %parallel_loop3A_346 : vector<1x16xf32> to vector<16xf32>
        %parallel_loop3A_348 = vector.shape_cast %parallel_loop3A_343 : vector<16xf32> to vector<1x16xf32>
        tpu.vector_store %arg8[%parallel_loop3A_344, %parallel_loop3A_345], %parallel_loop3A_348 {add = true, strides = array<i32>} : memref<160x512xf32, #tpu.memory_space<vmem>>, vector<1x16xf32>,
        %parallel_loop3A_349 = arith.addi %mul3A_146, %parallel_loop3A_218 : i32
        %parallel_loop3A_350 = arith.constant 32 : i32
        %parallel_loop3A_351 = arith.muli %sub3A_166, %parallel_loop3A_350 : i32
        %parallel_loop3A_352 = arith.addi %parallel_loop3A_351, %parallel_loop3A_218 : i32
        %parallel_loop3A_353 = arith.index_cast %parallel_loop3A_352 : i32 to index
        %parallel_loop3A_354 = arith.constant 160 : index
        %parallel_loop3A_355 = tpu.vector_load %arg7[%parallel_loop3A_353, %parallel_loop3A_354] {strides = array<i32>} : memref<64x512xf32, #tpu.memory_space<vmem>>, vector<1x16xf32>,
        %parallel_loop3A_356 = vector.shape_cast %parallel_loop3A_355 : vector<1x16xf32> to vector<16xf32>
        %parallel_loop3A_357 = arith.index_cast %parallel_loop3A_349 : i32 to index
        %parallel_loop3A_358 = arith.constant 160 : index
        %parallel_loop3A_359 = tpu.vector_load %arg8[%parallel_loop3A_357, %parallel_loop3A_358] {strides = array<i32>} : memref<160x512xf32, #tpu.memory_space<vmem>>, vector<1x16xf32>,
        %parallel_loop3A_360 = vector.shape_cast %parallel_loop3A_359 : vector<1x16xf32> to vector<16xf32>
        %parallel_loop3A_361 = vector.shape_cast %parallel_loop3A_356 : vector<16xf32> to vector<1x16xf32>
        tpu.vector_store %arg8[%parallel_loop3A_357, %parallel_loop3A_358], %parallel_loop3A_361 {add = true, strides = array<i32>} : memref<160x512xf32, #tpu.memory_space<vmem>>, vector<1x16xf32>,
        %parallel_loop3A_362 = arith.addi %mul3A_146, %parallel_loop3A_218 : i32
        %parallel_loop3A_363 = arith.constant 32 : i32
        %parallel_loop3A_364 = arith.muli %sub3A_166, %parallel_loop3A_363 : i32
        %parallel_loop3A_365 = arith.addi %parallel_loop3A_364, %parallel_loop3A_218 : i32
        %parallel_loop3A_366 = arith.index_cast %parallel_loop3A_365 : i32 to index
        %parallel_loop3A_367 = arith.constant 176 : index
        %parallel_loop3A_368 = tpu.vector_load %arg7[%parallel_loop3A_366, %parallel_loop3A_367] {strides = array<i32>} : memref<64x512xf32, #tpu.memory_space<vmem>>, vector<1x16xf32>,
        %parallel_loop3A_369 = vector.shape_cast %parallel_loop3A_368 : vector<1x16xf32> to vector<16xf32>
        %parallel_loop3A_370 = arith.index_cast %parallel_loop3A_362 : i32 to index
        %parallel_loop3A_371 = arith.constant 176 : index
        %parallel_loop3A_372 = tpu.vector_load %arg8[%parallel_loop3A_370, %parallel_loop3A_371] {strides = array<i32>} : memref<160x512xf32, #tpu.memory_space<vmem>>, vector<1x16xf32>,
        %parallel_loop3A_373 = vector.shape_cast %parallel_loop3A_372 : vector<1x16xf32> to vector<16xf32>
        %parallel_loop3A_374 = vector.shape_cast %parallel_loop3A_369 : vector<16xf32> to vector<1x16xf32>
        tpu.vector_store %arg8[%parallel_loop3A_370, %parallel_loop3A_371], %parallel_loop3A_374 {add = true, strides = array<i32>} : memref<160x512xf32, #tpu.memory_space<vmem>>, vector<1x16xf32>,
        %parallel_loop3A_375 = arith.addi %mul3A_146, %parallel_loop3A_218 : i32
        %parallel_loop3A_376 = arith.constant 32 : i32
        %parallel_loop3A_377 = arith.muli %sub3A_166, %parallel_loop3A_376 : i32
        %parallel_loop3A_378 = arith.addi %parallel_loop3A_377, %parallel_loop3A_218 : i32
        %parallel_loop3A_379 = arith.index_cast %parallel_loop3A_378 : i32 to index
        %parallel_loop3A_380 = arith.constant 192 : index
        %parallel_loop3A_381 = tpu.vector_load %arg7[%parallel_loop3A_379, %parallel_loop3A_380] {strides = array<i32>} : memref<64x512xf32, #tpu.memory_space<vmem>>, vector<1x16xf32>,
        %parallel_loop3A_382 = vector.shape_cast %parallel_loop3A_381 : vector<1x16xf32> to vector<16xf32>
        %parallel_loop3A_383 = arith.index_cast %parallel_loop3A_375 : i32 to index
        %parallel_loop3A_384 = arith.constant 192 : index
        %parallel_loop3A_385 = tpu.vector_load %arg8[%parallel_loop3A_383, %parallel_loop3A_384] {strides = array<i32>} : memref<160x512xf32, #tpu.memory_space<vmem>>, vector<1x16xf32>,
        %parallel_loop3A_386 = vector.shape_cast %parallel_loop3A_385 : vector<1x16xf32> to vector<16xf32>
        %parallel_loop3A_387 = vector.shape_cast %parallel_loop3A_382 : vector<16xf32> to vector<1x16xf32>
        tpu.vector_store %arg8[%parallel_loop3A_383, %parallel_loop3A_384], %parallel_loop3A_387 {add = true, strides = array<i32>} : memref<160x512xf32, #tpu.memory_space<vmem>>, vector<1x16xf32>,
        %parallel_loop3A_388 = arith.addi %mul3A_146, %parallel_loop3A_218 : i32
        %parallel_loop3A_389 = arith.constant 32 : i32
        %parallel_loop3A_390 = arith.muli %sub3A_166, %parallel_loop3A_389 : i32
        %parallel_loop3A_391 = arith.addi %parallel_loop3A_390, %parallel_loop3A_218 : i32
        %parallel_loop3A_392 = arith.index_cast %parallel_loop3A_391 : i32 to index
        %parallel_loop3A_393 = arith.constant 208 : index
        %parallel_loop3A_394 = tpu.vector_load %arg7[%parallel_loop3A_392, %parallel_loop3A_393] {strides = array<i32>} : memref<64x512xf32, #tpu.memory_space<vmem>>, vector<1x16xf32>,
        %parallel_loop3A_395 = vector.shape_cast %parallel_loop3A_394 : vector<1x16xf32> to vector<16xf32>
        %parallel_loop3A_396 = arith.index_cast %parallel_loop3A_388 : i32 to index
        %parallel_loop3A_397 = arith.constant 208 : index
        %parallel_loop3A_398 = tpu.vector_load %arg8[%parallel_loop3A_396, %parallel_loop3A_397] {strides = array<i32>} : memref<160x512xf32, #tpu.memory_space<vmem>>, vector<1x16xf32>,
        %parallel_loop3A_399 = vector.shape_cast %parallel_loop3A_398 : vector<1x16xf32> to vector<16xf32>
        %parallel_loop3A_400 = vector.shape_cast %parallel_loop3A_395 : vector<16xf32> to vector<1x16xf32>
        tpu.vector_store %arg8[%parallel_loop3A_396, %parallel_loop3A_397], %parallel_loop3A_400 {add = true, strides = array<i32>} : memref<160x512xf32, #tpu.memory_space<vmem>>, vector<1x16xf32>,
        %parallel_loop3A_401 = arith.addi %mul3A_146, %parallel_loop3A_218 : i32
        %parallel_loop3A_402 = arith.constant 32 : i32
        %parallel_loop3A_403 = arith.muli %sub3A_166, %parallel_loop3A_402 : i32
        %parallel_loop3A_404 = arith.addi %parallel_loop3A_403, %parallel_loop3A_218 : i32
        %parallel_loop3A_405 = arith.index_cast %parallel_loop3A_404 : i32 to index
        %parallel_loop3A_406 = arith.constant 224 : index
        %parallel_loop3A_407 = tpu.vector_load %arg7[%parallel_loop3A_405, %parallel_loop3A_406] {strides = array<i32>} : memref<64x512xf32, #tpu.memory_space<vmem>>, vector<1x16xf32>,
        %parallel_loop3A_408 = vector.shape_cast %parallel_loop3A_407 : vector<1x16xf32> to vector<16xf32>
        %parallel_loop3A_409 = arith.index_cast %parallel_loop3A_401 : i32 to index
        %parallel_loop3A_410 = arith.constant 224 : index
        %parallel_loop3A_411 = tpu.vector_load %arg8[%parallel_loop3A_409, %parallel_loop3A_410] {strides = array<i32>} : memref<160x512xf32, #tpu.memory_space<vmem>>, vector<1x16xf32>,
        %parallel_loop3A_412 = vector.shape_cast %parallel_loop3A_411 : vector<1x16xf32> to vector<16xf32>
        %parallel_loop3A_413 = vector.shape_cast %parallel_loop3A_408 : vector<16xf32> to vector<1x16xf32>
        tpu.vector_store %arg8[%parallel_loop3A_409, %parallel_loop3A_410], %parallel_loop3A_413 {add = true, strides = array<i32>} : memref<160x512xf32, #tpu.memory_space<vmem>>, vector<1x16xf32>,
        %parallel_loop3A_414 = arith.addi %mul3A_146, %parallel_loop3A_218 : i32
        %parallel_loop3A_415 = arith.constant 32 : i32
        %parallel_loop3A_416 = arith.muli %sub3A_166, %parallel_loop3A_415 : i32
        %parallel_loop3A_417 = arith.addi %parallel_loop3A_416, %parallel_loop3A_218 : i32
        %parallel_loop3A_418 = arith.index_cast %parallel_loop3A_417 : i32 to index
        %parallel_loop3A_419 = arith.constant 240 : index
        %parallel_loop3A_420 = tpu.vector_load %arg7[%parallel_loop3A_418, %parallel_loop3A_419] {strides = array<i32>} : memref<64x512xf32, #tpu.memory_space<vmem>>, vector<1x16xf32>,
        %parallel_loop3A_421 = vector.shape_cast %parallel_loop3A_420 : vector<1x16xf32> to vector<16xf32>
        %parallel_loop3A_422 = arith.index_cast %parallel_loop3A_414 : i32 to index
        %parallel_loop3A_423 = arith.constant 240 : index
        %parallel_loop3A_424 = tpu.vector_load %arg8[%parallel_loop3A_422, %parallel_loop3A_423] {strides = array<i32>} : memref<160x512xf32, #tpu.memory_space<vmem>>, vector<1x16xf32>,
        %parallel_loop3A_425 = vector.shape_cast %parallel_loop3A_424 : vector<1x16xf32> to vector<16xf32>
        %parallel_loop3A_426 = vector.shape_cast %parallel_loop3A_421 : vector<16xf32> to vector<1x16xf32>
        tpu.vector_store %arg8[%parallel_loop3A_422, %parallel_loop3A_423], %parallel_loop3A_426 {add = true, strides = array<i32>} : memref<160x512xf32, #tpu.memory_space<vmem>>, vector<1x16xf32>,
        %parallel_loop3A_427 = arith.addi %mul3A_146, %parallel_loop3A_218 : i32
        %parallel_loop3A_428 = arith.constant 32 : i32
        %parallel_loop3A_429 = arith.muli %sub3A_166, %parallel_loop3A_428 : i32
        %parallel_loop3A_430 = arith.addi %parallel_loop3A_429, %parallel_loop3A_218 : i32
        %parallel_loop3A_431 = arith.index_cast %parallel_loop3A_430 : i32 to index
        %parallel_loop3A_432 = arith.constant 256 : index
        %parallel_loop3A_433 = tpu.vector_load %arg7[%parallel_loop3A_431, %parallel_loop3A_432] {strides = array<i32>} : memref<64x512xf32, #tpu.memory_space<vmem>>, vector<1x16xf32>,
        %parallel_loop3A_434 = vector.shape_cast %parallel_loop3A_433 : vector<1x16xf32> to vector<16xf32>
        %parallel_loop3A_435 = arith.index_cast %parallel_loop3A_427 : i32 to index
        %parallel_loop3A_436 = arith.constant 256 : index
        %parallel_loop3A_437 = tpu.vector_load %arg8[%parallel_loop3A_435, %parallel_loop3A_436] {strides = array<i32>} : memref<160x512xf32, #tpu.memory_space<vmem>>, vector<1x16xf32>,
        %parallel_loop3A_438 = vector.shape_cast %parallel_loop3A_437 : vector<1x16xf32> to vector<16xf32>
        %parallel_loop3A_439 = vector.shape_cast %parallel_loop3A_434 : vector<16xf32> to vector<1x16xf32>
        tpu.vector_store %arg8[%parallel_loop3A_435, %parallel_loop3A_436], %parallel_loop3A_439 {add = true, strides = array<i32>} : memref<160x512xf32, #tpu.memory_space<vmem>>, vector<1x16xf32>,
        %parallel_loop3A_440 = arith.addi %mul3A_146, %parallel_loop3A_218 : i32
        %parallel_loop3A_441 = arith.constant 32 : i32
        %parallel_loop3A_442 = arith.muli %sub3A_166, %parallel_loop3A_441 : i32
        %parallel_loop3A_443 = arith.addi %parallel_loop3A_442, %parallel_loop3A_218 : i32
        %parallel_loop3A_444 = arith.index_cast %parallel_loop3A_443 : i32 to index
        %parallel_loop3A_445 = arith.constant 272 : index
        %parallel_loop3A_446 = tpu.vector_load %arg7[%parallel_loop3A_444, %parallel_loop3A_445] {strides = array<i32>} : memref<64x512xf32, #tpu.memory_space<vmem>>, vector<1x16xf32>,
        %parallel_loop3A_447 = vector.shape_cast %parallel_loop3A_446 : vector<1x16xf32> to vector<16xf32>
        %parallel_loop3A_448 = arith.index_cast %parallel_loop3A_440 : i32 to index
        %parallel_loop3A_449 = arith.constant 272 : index
        %parallel_loop3A_450 = tpu.vector_load %arg8[%parallel_loop3A_448, %parallel_loop3A_449] {strides = array<i32>} : memref<160x512xf32, #tpu.memory_space<vmem>>, vector<1x16xf32>,
        %parallel_loop3A_451 = vector.shape_cast %parallel_loop3A_450 : vector<1x16xf32> to vector<16xf32>
        %parallel_loop3A_452 = vector.shape_cast %parallel_loop3A_447 : vector<16xf32> to vector<1x16xf32>
        tpu.vector_store %arg8[%parallel_loop3A_448, %parallel_loop3A_449], %parallel_loop3A_452 {add = true, strides = array<i32>} : memref<160x512xf32, #tpu.memory_space<vmem>>, vector<1x16xf32>,
        %parallel_loop3A_453 = arith.addi %mul3A_146, %parallel_loop3A_218 : i32
        %parallel_loop3A_454 = arith.constant 32 : i32
        %parallel_loop3A_455 = arith.muli %sub3A_166, %parallel_loop3A_454 : i32
        %parallel_loop3A_456 = arith.addi %parallel_loop3A_455, %parallel_loop3A_218 : i32
        %parallel_loop3A_457 = arith.index_cast %parallel_loop3A_456 : i32 to index
        %parallel_loop3A_458 = arith.constant 288 : index
        %parallel_loop3A_459 = tpu.vector_load %arg7[%parallel_loop3A_457, %parallel_loop3A_458] {strides = array<i32>} : memref<64x512xf32, #tpu.memory_space<vmem>>, vector<1x16xf32>,
        %parallel_loop3A_460 = vector.shape_cast %parallel_loop3A_459 : vector<1x16xf32> to vector<16xf32>
        %parallel_loop3A_461 = arith.index_cast %parallel_loop3A_453 : i32 to index
        %parallel_loop3A_462 = arith.constant 288 : index
        %parallel_loop3A_463 = tpu.vector_load %arg8[%parallel_loop3A_461, %parallel_loop3A_462] {strides = array<i32>} : memref<160x512xf32, #tpu.memory_space<vmem>>, vector<1x16xf32>,
        %parallel_loop3A_464 = vector.shape_cast %parallel_loop3A_463 : vector<1x16xf32> to vector<16xf32>
        %parallel_loop3A_465 = vector.shape_cast %parallel_loop3A_460 : vector<16xf32> to vector<1x16xf32>
        tpu.vector_store %arg8[%parallel_loop3A_461, %parallel_loop3A_462], %parallel_loop3A_465 {add = true, strides = array<i32>} : memref<160x512xf32, #tpu.memory_space<vmem>>, vector<1x16xf32>,
        %parallel_loop3A_466 = arith.addi %mul3A_146, %parallel_loop3A_218 : i32
        %parallel_loop3A_467 = arith.constant 32 : i32
        %parallel_loop3A_468 = arith.muli %sub3A_166, %parallel_loop3A_467 : i32
        %parallel_loop3A_469 = arith.addi %parallel_loop3A_468, %parallel_loop3A_218 : i32
        %parallel_loop3A_470 = arith.index_cast %parallel_loop3A_469 : i32 to index
        %parallel_loop3A_471 = arith.constant 304 : index
        %parallel_loop3A_472 = tpu.vector_load %arg7[%parallel_loop3A_470, %parallel_loop3A_471] {strides = array<i32>} : memref<64x512xf32, #tpu.memory_space<vmem>>, vector<1x16xf32>,
        %parallel_loop3A_473 = vector.shape_cast %parallel_loop3A_472 : vector<1x16xf32> to vector<16xf32>
        %parallel_loop3A_474 = arith.index_cast %parallel_loop3A_466 : i32 to index
        %parallel_loop3A_475 = arith.constant 304 : index
        %parallel_loop3A_476 = tpu.vector_load %arg8[%parallel_loop3A_474, %parallel_loop3A_475] {strides = array<i32>} : memref<160x512xf32, #tpu.memory_space<vmem>>, vector<1x16xf32>,
        %parallel_loop3A_477 = vector.shape_cast %parallel_loop3A_476 : vector<1x16xf32> to vector<16xf32>
        %parallel_loop3A_478 = vector.shape_cast %parallel_loop3A_473 : vector<16xf32> to vector<1x16xf32>
        tpu.vector_store %arg8[%parallel_loop3A_474, %parallel_loop3A_475], %parallel_loop3A_478 {add = true, strides = array<i32>} : memref<160x512xf32, #tpu.memory_space<vmem>>, vector<1x16xf32>,
        %parallel_loop3A_479 = arith.addi %mul3A_146, %parallel_loop3A_218 : i32
        %parallel_loop3A_480 = arith.constant 32 : i32
        %parallel_loop3A_481 = arith.muli %sub3A_166, %parallel_loop3A_480 : i32
        %parallel_loop3A_482 = arith.addi %parallel_loop3A_481, %parallel_loop3A_218 : i32
        %parallel_loop3A_483 = arith.index_cast %parallel_loop3A_482 : i32 to index
        %parallel_loop3A_484 = arith.constant 320 : index
        %parallel_loop3A_485 = tpu.vector_load %arg7[%parallel_loop3A_483, %parallel_loop3A_484] {strides = array<i32>} : memref<64x512xf32, #tpu.memory_space<vmem>>, vector<1x16xf32>,
        %parallel_loop3A_486 = vector.shape_cast %parallel_loop3A_485 : vector<1x16xf32> to vector<16xf32>
        %parallel_loop3A_487 = arith.index_cast %parallel_loop3A_479 : i32 to index
        %parallel_loop3A_488 = arith.constant 320 : index
        %parallel_loop3A_489 = tpu.vector_load %arg8[%parallel_loop3A_487, %parallel_loop3A_488] {strides = array<i32>} : memref<160x512xf32, #tpu.memory_space<vmem>>, vector<1x16xf32>,
        %parallel_loop3A_490 = vector.shape_cast %parallel_loop3A_489 : vector<1x16xf32> to vector<16xf32>
        %parallel_loop3A_491 = vector.shape_cast %parallel_loop3A_486 : vector<16xf32> to vector<1x16xf32>
        tpu.vector_store %arg8[%parallel_loop3A_487, %parallel_loop3A_488], %parallel_loop3A_491 {add = true, strides = array<i32>} : memref<160x512xf32, #tpu.memory_space<vmem>>, vector<1x16xf32>,
        %parallel_loop3A_492 = arith.addi %mul3A_146, %parallel_loop3A_218 : i32
        %parallel_loop3A_493 = arith.constant 32 : i32
        %parallel_loop3A_494 = arith.muli %sub3A_166, %parallel_loop3A_493 : i32
        %parallel_loop3A_495 = arith.addi %parallel_loop3A_494, %parallel_loop3A_218 : i32
        %parallel_loop3A_496 = arith.index_cast %parallel_loop3A_495 : i32 to index
        %parallel_loop3A_497 = arith.constant 336 : index
        %parallel_loop3A_498 = tpu.vector_load %arg7[%parallel_loop3A_496, %parallel_loop3A_497] {strides = array<i32>} : memref<64x512xf32, #tpu.memory_space<vmem>>, vector<1x16xf32>,
        %parallel_loop3A_499 = vector.shape_cast %parallel_loop3A_498 : vector<1x16xf32> to vector<16xf32>
        %parallel_loop3A_500 = arith.index_cast %parallel_loop3A_492 : i32 to index
        %parallel_loop3A_501 = arith.constant 336 : index
        %parallel_loop3A_502 = tpu.vector_load %arg8[%parallel_loop3A_500, %parallel_loop3A_501] {strides = array<i32>} : memref<160x512xf32, #tpu.memory_space<vmem>>, vector<1x16xf32>,
        %parallel_loop3A_503 = vector.shape_cast %parallel_loop3A_502 : vector<1x16xf32> to vector<16xf32>
        %parallel_loop3A_504 = vector.shape_cast %parallel_loop3A_499 : vector<16xf32> to vector<1x16xf32>
        tpu.vector_store %arg8[%parallel_loop3A_500, %parallel_loop3A_501], %parallel_loop3A_504 {add = true, strides = array<i32>} : memref<160x512xf32, #tpu.memory_space<vmem>>, vector<1x16xf32>,
        %parallel_loop3A_505 = arith.addi %mul3A_146, %parallel_loop3A_218 : i32
        %parallel_loop3A_506 = arith.constant 32 : i32
        %parallel_loop3A_507 = arith.muli %sub3A_166, %parallel_loop3A_506 : i32
        %parallel_loop3A_508 = arith.addi %parallel_loop3A_507, %parallel_loop3A_218 : i32
        %parallel_loop3A_509 = arith.index_cast %parallel_loop3A_508 : i32 to index
        %parallel_loop3A_510 = arith.constant 352 : index
        %parallel_loop3A_511 = tpu.vector_load %arg7[%parallel_loop3A_509, %parallel_loop3A_510] {strides = array<i32>} : memref<64x512xf32, #tpu.memory_space<vmem>>, vector<1x16xf32>,
        %parallel_loop3A_512 = vector.shape_cast %parallel_loop3A_511 : vector<1x16xf32> to vector<16xf32>
        %parallel_loop3A_513 = arith.index_cast %parallel_loop3A_505 : i32 to index
        %parallel_loop3A_514 = arith.constant 352 : index
        %parallel_loop3A_515 = tpu.vector_load %arg8[%parallel_loop3A_513, %parallel_loop3A_514] {strides = array<i32>} : memref<160x512xf32, #tpu.memory_space<vmem>>, vector<1x16xf32>,
        %parallel_loop3A_516 = vector.shape_cast %parallel_loop3A_515 : vector<1x16xf32> to vector<16xf32>
        %parallel_loop3A_517 = vector.shape_cast %parallel_loop3A_512 : vector<16xf32> to vector<1x16xf32>
        tpu.vector_store %arg8[%parallel_loop3A_513, %parallel_loop3A_514], %parallel_loop3A_517 {add = true, strides = array<i32>} : memref<160x512xf32, #tpu.memory_space<vmem>>, vector<1x16xf32>,
        %parallel_loop3A_518 = arith.addi %mul3A_146, %parallel_loop3A_218 : i32
        %parallel_loop3A_519 = arith.constant 32 : i32
        %parallel_loop3A_520 = arith.muli %sub3A_166, %parallel_loop3A_519 : i32
        %parallel_loop3A_521 = arith.addi %parallel_loop3A_520, %parallel_loop3A_218 : i32
        %parallel_loop3A_522 = arith.index_cast %parallel_loop3A_521 : i32 to index
        %parallel_loop3A_523 = arith.constant 368 : index
        %parallel_loop3A_524 = tpu.vector_load %arg7[%parallel_loop3A_522, %parallel_loop3A_523] {strides = array<i32>} : memref<64x512xf32, #tpu.memory_space<vmem>>, vector<1x16xf32>,
        %parallel_loop3A_525 = vector.shape_cast %parallel_loop3A_524 : vector<1x16xf32> to vector<16xf32>
        %parallel_loop3A_526 = arith.index_cast %parallel_loop3A_518 : i32 to index
        %parallel_loop3A_527 = arith.constant 368 : index
        %parallel_loop3A_528 = tpu.vector_load %arg8[%parallel_loop3A_526, %parallel_loop3A_527] {strides = array<i32>} : memref<160x512xf32, #tpu.memory_space<vmem>>, vector<1x16xf32>,
        %parallel_loop3A_529 = vector.shape_cast %parallel_loop3A_528 : vector<1x16xf32> to vector<16xf32>
        %parallel_loop3A_530 = vector.shape_cast %parallel_loop3A_525 : vector<16xf32> to vector<1x16xf32>
        tpu.vector_store %arg8[%parallel_loop3A_526, %parallel_loop3A_527], %parallel_loop3A_530 {add = true, strides = array<i32>} : memref<160x512xf32, #tpu.memory_space<vmem>>, vector<1x16xf32>,
        %parallel_loop3A_531 = arith.addi %mul3A_146, %parallel_loop3A_218 : i32
        %parallel_loop3A_532 = arith.constant 32 : i32
        %parallel_loop3A_533 = arith.muli %sub3A_166, %parallel_loop3A_532 : i32
        %parallel_loop3A_534 = arith.addi %parallel_loop3A_533, %parallel_loop3A_218 : i32
        %parallel_loop3A_535 = arith.index_cast %parallel_loop3A_534 : i32 to index
        %parallel_loop3A_536 = arith.constant 384 : index
        %parallel_loop3A_537 = tpu.vector_load %arg7[%parallel_loop3A_535, %parallel_loop3A_536] {strides = array<i32>} : memref<64x512xf32, #tpu.memory_space<vmem>>, vector<1x16xf32>,
        %parallel_loop3A_538 = vector.shape_cast %parallel_loop3A_537 : vector<1x16xf32> to vector<16xf32>
        %parallel_loop3A_539 = arith.index_cast %parallel_loop3A_531 : i32 to index
        %parallel_loop3A_540 = arith.constant 384 : index
        %parallel_loop3A_541 = tpu.vector_load %arg8[%parallel_loop3A_539, %parallel_loop3A_540] {strides = array<i32>} : memref<160x512xf32, #tpu.memory_space<vmem>>, vector<1x16xf32>,
        %parallel_loop3A_542 = vector.shape_cast %parallel_loop3A_541 : vector<1x16xf32> to vector<16xf32>
        %parallel_loop3A_543 = vector.shape_cast %parallel_loop3A_538 : vector<16xf32> to vector<1x16xf32>
        tpu.vector_store %arg8[%parallel_loop3A_539, %parallel_loop3A_540], %parallel_loop3A_543 {add = true, strides = array<i32>} : memref<160x512xf32, #tpu.memory_space<vmem>>, vector<1x16xf32>,
        %parallel_loop3A_544 = arith.addi %mul3A_146, %parallel_loop3A_218 : i32
        %parallel_loop3A_545 = arith.constant 32 : i32
        %parallel_loop3A_546 = arith.muli %sub3A_166, %parallel_loop3A_545 : i32
        %parallel_loop3A_547 = arith.addi %parallel_loop3A_546, %parallel_loop3A_218 : i32
        %parallel_loop3A_548 = arith.index_cast %parallel_loop3A_547 : i32 to index
        %parallel_loop3A_549 = arith.constant 400 : index
        %parallel_loop3A_550 = tpu.vector_load %arg7[%parallel_loop3A_548, %parallel_loop3A_549] {strides = array<i32>} : memref<64x512xf32, #tpu.memory_space<vmem>>, vector<1x16xf32>,
        %parallel_loop3A_551 = vector.shape_cast %parallel_loop3A_550 : vector<1x16xf32> to vector<16xf32>
        %parallel_loop3A_552 = arith.index_cast %parallel_loop3A_544 : i32 to index
        %parallel_loop3A_553 = arith.constant 400 : index
        %parallel_loop3A_554 = tpu.vector_load %arg8[%parallel_loop3A_552, %parallel_loop3A_553] {strides = array<i32>} : memref<160x512xf32, #tpu.memory_space<vmem>>, vector<1x16xf32>,
        %parallel_loop3A_555 = vector.shape_cast %parallel_loop3A_554 : vector<1x16xf32> to vector<16xf32>
        %parallel_loop3A_556 = vector.shape_cast %parallel_loop3A_551 : vector<16xf32> to vector<1x16xf32>
        tpu.vector_store %arg8[%parallel_loop3A_552, %parallel_loop3A_553], %parallel_loop3A_556 {add = true, strides = array<i32>} : memref<160x512xf32, #tpu.memory_space<vmem>>, vector<1x16xf32>,
        %parallel_loop3A_557 = arith.addi %mul3A_146, %parallel_loop3A_218 : i32
        %parallel_loop3A_558 = arith.constant 32 : i32
        %parallel_loop3A_559 = arith.muli %sub3A_166, %parallel_loop3A_558 : i32
        %parallel_loop3A_560 = arith.addi %parallel_loop3A_559, %parallel_loop3A_218 : i32
        %parallel_loop3A_561 = arith.index_cast %parallel_loop3A_560 : i32 to index
        %parallel_loop3A_562 = arith.constant 416 : index
        %parallel_loop3A_563 = tpu.vector_load %arg7[%parallel_loop3A_561, %parallel_loop3A_562] {strides = array<i32>} : memref<64x512xf32, #tpu.memory_space<vmem>>, vector<1x16xf32>,
        %parallel_loop3A_564 = vector.shape_cast %parallel_loop3A_563 : vector<1x16xf32> to vector<16xf32>
        %parallel_loop3A_565 = arith.index_cast %parallel_loop3A_557 : i32 to index
        %parallel_loop3A_566 = arith.constant 416 : index
        %parallel_loop3A_567 = tpu.vector_load %arg8[%parallel_loop3A_565, %parallel_loop3A_566] {strides = array<i32>} : memref<160x512xf32, #tpu.memory_space<vmem>>, vector<1x16xf32>,
        %parallel_loop3A_568 = vector.shape_cast %parallel_loop3A_567 : vector<1x16xf32> to vector<16xf32>
        %parallel_loop3A_569 = vector.shape_cast %parallel_loop3A_564 : vector<16xf32> to vector<1x16xf32>
        tpu.vector_store %arg8[%parallel_loop3A_565, %parallel_loop3A_566], %parallel_loop3A_569 {add = true, strides = array<i32>} : memref<160x512xf32, #tpu.memory_space<vmem>>, vector<1x16xf32>,
        %parallel_loop3A_570 = arith.addi %mul3A_146, %parallel_loop3A_218 : i32
        %parallel_loop3A_571 = arith.constant 32 : i32
        %parallel_loop3A_572 = arith.muli %sub3A_166, %parallel_loop3A_571 : i32
        %parallel_loop3A_573 = arith.addi %parallel_loop3A_572, %parallel_loop3A_218 : i32
        %parallel_loop3A_574 = arith.index_cast %parallel_loop3A_573 : i32 to index
        %parallel_loop3A_575 = arith.constant 432 : index
        %parallel_loop3A_576 = tpu.vector_load %arg7[%parallel_loop3A_574, %parallel_loop3A_575] {strides = array<i32>} : memref<64x512xf32, #tpu.memory_space<vmem>>, vector<1x16xf32>,
        %parallel_loop3A_577 = vector.shape_cast %parallel_loop3A_576 : vector<1x16xf32> to vector<16xf32>
        %parallel_loop3A_578 = arith.index_cast %parallel_loop3A_570 : i32 to index
        %parallel_loop3A_579 = arith.constant 432 : index
        %parallel_loop3A_580 = tpu.vector_load %arg8[%parallel_loop3A_578, %parallel_loop3A_579] {strides = array<i32>} : memref<160x512xf32, #tpu.memory_space<vmem>>, vector<1x16xf32>,
        %parallel_loop3A_581 = vector.shape_cast %parallel_loop3A_580 : vector<1x16xf32> to vector<16xf32>
        %parallel_loop3A_582 = vector.shape_cast %parallel_loop3A_577 : vector<16xf32> to vector<1x16xf32>
        tpu.vector_store %arg8[%parallel_loop3A_578, %parallel_loop3A_579], %parallel_loop3A_582 {add = true, strides = array<i32>} : memref<160x512xf32, #tpu.memory_space<vmem>>, vector<1x16xf32>,
        %parallel_loop3A_583 = arith.addi %mul3A_146, %parallel_loop3A_218 : i32
        %parallel_loop3A_584 = arith.constant 32 : i32
        %parallel_loop3A_585 = arith.muli %sub3A_166, %parallel_loop3A_584 : i32
        %parallel_loop3A_586 = arith.addi %parallel_loop3A_585, %parallel_loop3A_218 : i32
        %parallel_loop3A_587 = arith.index_cast %parallel_loop3A_586 : i32 to index
        %parallel_loop3A_588 = arith.constant 448 : index
        %parallel_loop3A_589 = tpu.vector_load %arg7[%parallel_loop3A_587, %parallel_loop3A_588] {strides = array<i32>} : memref<64x512xf32, #tpu.memory_space<vmem>>, vector<1x16xf32>,
        %parallel_loop3A_590 = vector.shape_cast %parallel_loop3A_589 : vector<1x16xf32> to vector<16xf32>
        %parallel_loop3A_591 = arith.index_cast %parallel_loop3A_583 : i32 to index
        %parallel_loop3A_592 = arith.constant 448 : index
        %parallel_loop3A_593 = tpu.vector_load %arg8[%parallel_loop3A_591, %parallel_loop3A_592] {strides = array<i32>} : memref<160x512xf32, #tpu.memory_space<vmem>>, vector<1x16xf32>,
        %parallel_loop3A_594 = vector.shape_cast %parallel_loop3A_593 : vector<1x16xf32> to vector<16xf32>
        %parallel_loop3A_595 = vector.shape_cast %parallel_loop3A_590 : vector<16xf32> to vector<1x16xf32>
        tpu.vector_store %arg8[%parallel_loop3A_591, %parallel_loop3A_592], %parallel_loop3A_595 {add = true, strides = array<i32>} : memref<160x512xf32, #tpu.memory_space<vmem>>, vector<1x16xf32>,
        %parallel_loop3A_596 = arith.addi %mul3A_146, %parallel_loop3A_218 : i32
        %parallel_loop3A_597 = arith.constant 32 : i32
        %parallel_loop3A_598 = arith.muli %sub3A_166, %parallel_loop3A_597 : i32
        %parallel_loop3A_599 = arith.addi %parallel_loop3A_598, %parallel_loop3A_218 : i32
        %parallel_loop3A_600 = arith.index_cast %parallel_loop3A_599 : i32 to index
        %parallel_loop3A_601 = arith.constant 464 : index
        %parallel_loop3A_602 = tpu.vector_load %arg7[%parallel_loop3A_600, %parallel_loop3A_601] {strides = array<i32>} : memref<64x512xf32, #tpu.memory_space<vmem>>, vector<1x16xf32>,
        %parallel_loop3A_603 = vector.shape_cast %parallel_loop3A_602 : vector<1x16xf32> to vector<16xf32>
        %parallel_loop3A_604 = arith.index_cast %parallel_loop3A_596 : i32 to index
        %parallel_loop3A_605 = arith.constant 464 : index
        %parallel_loop3A_606 = tpu.vector_load %arg8[%parallel_loop3A_604, %parallel_loop3A_605] {strides = array<i32>} : memref<160x512xf32, #tpu.memory_space<vmem>>, vector<1x16xf32>,
        %parallel_loop3A_607 = vector.shape_cast %parallel_loop3A_606 : vector<1x16xf32> to vector<16xf32>
        %parallel_loop3A_608 = vector.shape_cast %parallel_loop3A_603 : vector<16xf32> to vector<1x16xf32>
        tpu.vector_store %arg8[%parallel_loop3A_604, %parallel_loop3A_605], %parallel_loop3A_608 {add = true, strides = array<i32>} : memref<160x512xf32, #tpu.memory_space<vmem>>, vector<1x16xf32>,
        %parallel_loop3A_609 = arith.addi %mul3A_146, %parallel_loop3A_218 : i32
        %parallel_loop3A_610 = arith.constant 32 : i32
        %parallel_loop3A_611 = arith.muli %sub3A_166, %parallel_loop3A_610 : i32
        %parallel_loop3A_612 = arith.addi %parallel_loop3A_611, %parallel_loop3A_218 : i32
        %parallel_loop3A_613 = arith.index_cast %parallel_loop3A_612 : i32 to index
        %parallel_loop3A_614 = arith.constant 480 : index
        %parallel_loop3A_615 = tpu.vector_load %arg7[%parallel_loop3A_613, %parallel_loop3A_614] {strides = array<i32>} : memref<64x512xf32, #tpu.memory_space<vmem>>, vector<1x16xf32>,
        %parallel_loop3A_616 = vector.shape_cast %parallel_loop3A_615 : vector<1x16xf32> to vector<16xf32>
        %parallel_loop3A_617 = arith.index_cast %parallel_loop3A_609 : i32 to index
        %parallel_loop3A_618 = arith.constant 480 : index
        %parallel_loop3A_619 = tpu.vector_load %arg8[%parallel_loop3A_617, %parallel_loop3A_618] {strides = array<i32>} : memref<160x512xf32, #tpu.memory_space<vmem>>, vector<1x16xf32>,
        %parallel_loop3A_620 = vector.shape_cast %parallel_loop3A_619 : vector<1x16xf32> to vector<16xf32>
        %parallel_loop3A_621 = vector.shape_cast %parallel_loop3A_616 : vector<16xf32> to vector<1x16xf32>
        tpu.vector_store %arg8[%parallel_loop3A_617, %parallel_loop3A_618], %parallel_loop3A_621 {add = true, strides = array<i32>} : memref<160x512xf32, #tpu.memory_space<vmem>>, vector<1x16xf32>,
        %parallel_loop3A_622 = arith.addi %mul3A_146, %parallel_loop3A_218 : i32
        %parallel_loop3A_623 = arith.constant 32 : i32
        %parallel_loop3A_624 = arith.muli %sub3A_166, %parallel_loop3A_623 : i32
        %parallel_loop3A_625 = arith.addi %parallel_loop3A_624, %parallel_loop3A_218 : i32
        %parallel_loop3A_626 = arith.index_cast %parallel_loop3A_625 : i32 to index
        %parallel_loop3A_627 = arith.constant 496 : index
        %parallel_loop3A_628 = tpu.vector_load %arg7[%parallel_loop3A_626, %parallel_loop3A_627] {strides = array<i32>} : memref<64x512xf32, #tpu.memory_space<vmem>>, vector<1x16xf32>,
        %parallel_loop3A_629 = vector.shape_cast %parallel_loop3A_628 : vector<1x16xf32> to vector<16xf32>
        %parallel_loop3A_630 = arith.index_cast %parallel_loop3A_622 : i32 to index
        %parallel_loop3A_631 = arith.constant 496 : index
        %parallel_loop3A_632 = tpu.vector_load %arg8[%parallel_loop3A_630, %parallel_loop3A_631] {strides = array<i32>} : memref<160x512xf32, #tpu.memory_space<vmem>>, vector<1x16xf32>,
        %parallel_loop3A_633 = vector.shape_cast %parallel_loop3A_632 : vector<1x16xf32> to vector<16xf32>
        %parallel_loop3A_634 = vector.shape_cast %parallel_loop3A_629 : vector<16xf32> to vector<1x16xf32>
        tpu.vector_store %arg8[%parallel_loop3A_630, %parallel_loop3A_631], %parallel_loop3A_634 {add = true, strides = array<i32>} : memref<160x512xf32, #tpu.memory_space<vmem>>, vector<1x16xf32>,
      } {sc.loop_unroll_factor = 8 : i64, sc.parallel_access}
      %jit3A_169 = arith.constant 2 : i32
      %div3A_170 = arith.divsi %add3A_123, %jit3A_169 : i32
      %sign3A_171 = arith.constant 0 : i32
      %sign3A_172 = arith.cmpi sgt, %add3A_123, %sign3A_171 : i32
      %sign3A_173 = arith.extui %sign3A_172 : i1 to i32
      %sign3A_174 = arith.constant 0 : i32
      %sign3A_175 = arith.cmpi slt, %add3A_123, %sign3A_174 : i32
      %sign3A_176 = arith.extui %sign3A_175 : i1 to i32
      %sign3A_177 = arith.subi %sign3A_173, %sign3A_176 : i32
      %sign3A_178 = arith.constant 0 : i32
      %sign3A_179 = arith.cmpi sgt, %jit3A_169, %sign3A_178 : i32
      %sign3A_180 = arith.extui %sign3A_179 : i1 to i32
      %sign3A_181 = arith.constant 0 : i32
      %sign3A_182 = arith.cmpi slt, %jit3A_169, %sign3A_181 : i32
      %sign3A_183 = arith.extui %sign3A_182 : i1 to i32
      %sign3A_184 = arith.subi %sign3A_180, %sign3A_183 : i32
      %ne3A_185 = arith.cmpi ne, %sign3A_177, %sign3A_184 : i32
      %rem3A_186 = arith.remsi %add3A_123, %jit3A_169 : i32
      %ne3A_187 = arith.constant 0 : i32
      %ne3A_188 = arith.cmpi ne, %rem3A_186, %ne3A_187 : i32
      %and3A_189 = arith.andi %ne3A_185, %ne3A_188 : i1
      %sub3A_190 = arith.constant 1 : i32
      %sub3A_191 = arith.subi %div3A_170, %sub3A_190 : i32
      %select_n3A_192 = arith.select %and3A_189, %sub3A_191, %div3A_170 : i32
      %mul3A_193 = arith.constant 2 : i32
      %mul3A_194 = arith.muli %select_n3A_192, %mul3A_193 : i32
      %sub3A_195 = arith.subi %add3A_123, %mul3A_194 : i32
      %rem3A_196 = arith.constant 5 : i32
      %rem3A_197 = arith.remsi %add3A_123, %rem3A_196 : i32
      %mul3A_198 = arith.constant 32 : i32
      %mul3A_199 = arith.muli %rem3A_197, %mul3A_198 : i32
      %mul3A_200 = arith.constant 2048 : i32
      %mul3A_201 = arith.muli %select_n3A_192, %mul3A_200 : i32
      %add3A_202 = arith.addi %mul3A_201, %mul3A_2 : i32
      %mul3A_203 = arith.constant 32 : i32
      %mul3A_204 = arith.muli %sub3A_195, %mul3A_203 : i32
      %add3A_205 = arith.addi %add3A_202, %mul3A_204 : i32
      %rem3A_206 = arith.constant 5 : i32
      %rem3A_207 = arith.remsi %add3A_123, %rem3A_206 : i32
      %dma_start3A_208 = arith.constant 0 : i32
      %dma_start3A_209 = tpu.memref_slice %arg8[%mul3A_199, %dma_start3A_208] : memref<160x512xf32, #tpu.memory_space<vmem>> -> memref<32x512xf32, #tpu.memory_space<vmem>>
      %dma_start3A_210 = arith.constant 0 : i32
      %dma_start3A_211 = tpu.memref_slice %arg5[%add3A_205, %dma_start3A_210] : memref<8192x512xf32, #tpu.memory_space<hbm>> -> memref<32x512xf32, #tpu.memory_space<hbm>>
      %dma_start3A_212 = tpu.memref_slice %arg10[%rem3A_207] : memref<5x!tpu.dma_semaphore, #tpu.memory_space<semaphore_mem>> -> memref<1x!tpu.dma_semaphore, #tpu.memory_space<semaphore_mem>>
      %dma_start3A_213 = tpu.memref_squeeze %dma_start3A_212 : memref<1x!tpu.dma_semaphore, #tpu.memory_space<semaphore_mem>> -> memref<!tpu.dma_semaphore, #tpu.memory_space<semaphore_mem>>
      %dma_start3A_214 = arith.constant 0 : i32
      %dma_start3A_215 = tpu.memref_slice %arg5[%add3A_205, %dma_start3A_214] : memref<8192x512xf32, #tpu.memory_space<hbm>> -> memref<32x512xf32, #tpu.memory_space<hbm>>
      %dma_start3A_216 = arith.constant 0 : i32
      %dma_start3A_217 = tpu.memref_slice %arg8[%mul3A_199, %dma_start3A_216] : memref<160x512xf32, #tpu.memory_space<vmem>> -> memref<32x512xf32, #tpu.memory_space<vmem>>
      tpu.enqueue_dma source(%dma_start3A_217 : memref<32x512xf32, #tpu.memory_space<vmem>>) target(%dma_start3A_215 : memref<32x512xf32, #tpu.memory_space<hbm>>) target_semaphore(%dma_start3A_213 : memref<!tpu.dma_semaphore, #tpu.memory_space<semaphore_mem>>)
    }
    %scan3A_113 = arith.constant 8 : i32
    %scan3A_114 = arith.constant 0 : i32
    %scan3A_115 = arith.constant 5 : i32
    %scan3A_116 = arith.addi %scan3A_114, %scan3A_115 : i32
    %scan3A_117 = arith.constant 1 : i32
    scf.for %scan3A_119 = %scan3A_114 to %scan3A_116 step %scan3A_117  : i32 {
      %mul3A_120 = arith.constant 1 : i32
      %mul3A_121 = arith.muli %scan3A_119, %mul3A_120 : i32
      %add3A_122 = arith.constant 0 : i32
      %add3A_123 = arith.addi %add3A_122, %mul3A_121 : i32
      %dma_wait3A_124 = arith.constant 0 : i32
      %dma_wait3A_125 = arith.constant 0 : i32
      %dma_wait3A_126 = tpu.memref_slice %arg8[%dma_wait3A_124, %dma_wait3A_125] : memref<160x512xf32, #tpu.memory_space<vmem>> -> memref<32x512xf32, #tpu.memory_space<vmem>>
      %dma_wait3A_127 = arith.constant 0 : i32
      %dma_wait3A_128 = arith.constant 0 : i32
      %dma_wait3A_129 = tpu.memref_slice %arg5[%dma_wait3A_127, %dma_wait3A_128] : memref<8192x512xf32, #tpu.memory_space<hbm>> -> memref<32x512xf32, #tpu.memory_space<hbm>>
      %dma_wait3A_130 = tpu.memref_slice %arg10[%add3A_123] : memref<5x!tpu.dma_semaphore, #tpu.memory_space<semaphore_mem>> -> memref<1x!tpu.dma_semaphore, #tpu.memory_space<semaphore_mem>>
      %dma_wait3A_131 = tpu.memref_squeeze %dma_wait3A_130 : memref<1x!tpu.dma_semaphore, #tpu.memory_space<semaphore_mem>> -> memref<!tpu.dma_semaphore, #tpu.memory_space<semaphore_mem>>
      %dma_wait3A_132 = arith.constant 0 : i32
      %dma_wait3A_133 = arith.constant 0 : i32
      %dma_wait3A_134 = tpu.memref_slice %arg8[%dma_wait3A_132, %dma_wait3A_133] : memref<160x512xf32, #tpu.memory_space<vmem>> -> memref<32x512xf32, #tpu.memory_space<vmem>>
      %dma_wait3A_135 = arith.constant 0 : i32
      %dma_wait3A_136 = arith.constant 0 : i32
      %dma_wait3A_137 = tpu.memref_slice %arg5[%dma_wait3A_135, %dma_wait3A_136] : memref<8192x512xf32, #tpu.memory_space<hbm>> -> memref<32x512xf32, #tpu.memory_space<hbm>>
      tpu.wait_dma2 semaphore(%dma_wait3A_131 : memref<!tpu.dma_semaphore, #tpu.memory_space<semaphore_mem>>) src(%dma_wait3A_137 : memref<32x512xf32, #tpu.memory_space<hbm>>) dst(%dma_wait3A_134 : memref<32x512xf32, #tpu.memory_space<vmem>>)
    }
    %scan3A_118 = arith.constant 5 : i32
    return
  }
}

</mosaic_0001>

<sc_bundles>
// kernel: kernel.3.cloned.1.call-start
scs
__scs_entry_jumppad:
0x0: {  	(pc) =	sbr.rel $0x88, $3  }
0x1: {  	(tag) =	ssettag $0x0;
	lr =	simm.s32 $0x1  }
0x2: {  	[smem:$0x3F9E] =	sst lr;
	_ =	strace $0xD0000000  }
0x3: {  	_ = 	snop  }
0x4: {  	_ = 	snop  }
0x5: {  	_ = 	snop  }
0x6: {  	_ = 	snop  }
0x7: {  	_ = 	snop  }
__scs_overlays_trampoline_lowered:
0x8: {  	[smem:$0x3FAD] =	sst s0  }
0x9: {  	[smem:$0x3FAE] =	sst s1  }
0xa: {  	[smem:$0x3FAF] =	sst s2  }
0xb: {  	[smem:$0x3FB0] =	sst s3  }
0xc: {  	[smem:$0x3FB1] =	sst s4  }
0xd: {  	[smem:$0x3FB2] =	sst s5  }
0xe: {  	[smem:$0x3FB3] =	sst s6  }
0xf: {  	[smem:$0x3FB4] =	sst s7  }
0x10: {  	[smem:$0x3FB5] =	sst s8  }
0x11: {  	[smem:$0x3FB6] =	sst s9;
	s0 =	simm.s32 @!p0 $0x0  }
0x12: {  	s1 =	sld [smem:$0x3F9C];
	s0 =	simm.s32 @p0 $0x1  }
0x13: {  	[smem:$0x3FB7] =	sst s0;
	s0 =	simm.s32 @!p1 $0x0  }
0x14: {  	s2 =	sld [smem:$0x3F9B];
	s0 =	simm.s32 @p1 $0x1  }
0x15: {  	[smem:$0x3FB8] =	sst s0;
	s0 =	simm.s32 @!p2 $0x0  }
0x16: {  	s3 =	sld [smem:$0x3FDB];
	s0 =	simm.s32 @p2 $0x1  }
0x17: {  	s4 =	simm.s32 $0x1BF5;
	[smem:$0x3FBA] =	sst s0  }
0x18: {  	s0 =	sld [smem:$0x3F9D];
	_ =	swait.ge [sflag:s4], $0x0  }
0x19: {  	s7 =	sld [smem:$0x3F9E]  }
0x1a: {  	s8 =	sadd.s32 $0xFFFFE003, lr  }
0x1b: {  	s9 =	sadd.s32 $0xFFFFFEF7, lr;
	s5 =	simm.s32 $0xFFFFFFFF;
	p2 =	slt.u32 s8, $0xFFFFF086  }
0x1c: {  	p1 =	slt.u32 s9, $0xF7A;
	s5 =	simm.s32 @!p2 $0x0  }
0x1d: {  	s5 =	simm.s32 @p1 $0x1;
	p0 =	seq.s32 s7, s2  }
0x1e: {  	s7 =	smul.u32 @!p0 $0xF7A, s2;
	p2 =	seq.s32 @!p0 s5, $0x0  }
0x1f: {  	s9 =	smul.u32 $0xF7A, s1;
	s8 =	simm.s32 @!p0 $0x1BF5;
	p2 =	por !p2, p0  }
0x20: {  	[sflag:s8] =	ssyncset.s32 @!p0 $0xFFFFF086;
	s6 =	sadd.s32 @!p0 s3, s7;
	s7 =	simm.s32 @!p0 $0x108  }
0x21: {  	s3 =	sadd.s32 s3, s9;
	s6 =	sadd.s32 @!p0 $0x88, s6;
	s7 =	simm.s32 @p2 $0x1082  }
0x22: {  	[simem:s7], [sflag:s8] =	dma.local @!p0 [hbm:s6], $0xF7A  }
0x23: {  	s9 =	sor.u32 $0xD0000000, s2;
	s6 =	simm.s32 $0x108;
	_ =	swait.ge @!p0 [sflag:s8], $0x0  }
0x24: {  	s3 =	sadd.s32 $0x88, s3;
	s6 =	simm.s32 @!p1 $0x1082;
	[sflag:s4] =	ssyncset.s32 $0xFFFFF086  }
0x25: {  	[simem:s6], [sflag:s4] =	dma.local [hbm:s3], $0xF7A  }
0x26: {  	[smem:$0x3F9E] =	sst s1;
	(tag) =	ssettag s2;
	_ =	strace s9  }
0x27: {  	s1 =	sld [smem:$0x3FAE]  }
0x28: {  	s2 =	sld [smem:$0x3FAF]  }
0x29: {  	s4 =	sld [smem:$0x3FB1]  }
0x2a: {  	p0 =	seq.s32 s5, $0x0;
	s5 =	sld [smem:$0x3FB2]  }
0x2b: {  	s6 =	sld [smem:$0x3FB3]  }
0x2c: {  	s7 =	sld [smem:$0x3FB4]  }
0x2d: {  	s3 =	simm.s32 $0x108;
	s8 =	sld [smem:$0x3FB5]  }
0x2e: {  	s3 =	simm.s32 @!p0 $0x1082;
	s9 =	sld [smem:$0x3FB6]  }
0x2f: {  	lr =	sadd.s32 s0, s3;
	s0 =	sld [smem:$0x3FAD]  }
0x30: {  	s3 =	sld [smem:$0x3FB0]  }
0x31: {  	[smem:$0x3FB9] =	sst s10  }
0x32: {  	s10 =	sld [smem:$0x3FB7];
	_ =	sdelay $0x3  }
0x33: {  	p0 =	seq.s32 s10, $0x1;
	s10 =	sld [smem:$0x3FB9];
	_ =	sdelay $0x3  }
0x34: {  	[smem:$0x3FB9] =	sst s10  }
0x35: {  	s10 =	sld [smem:$0x3FB8];
	_ =	sdelay $0x3  }
0x36: {  	p1 =	seq.s32 s10, $0x1;
	s10 =	sld [smem:$0x3FB9];
	_ =	sdelay $0x3  }
0x37: {  	[smem:$0x3FB9] =	sst s10  }
0x38: {  	s10 =	sld [smem:$0x3FBA]  }
0x39: {  	_ = 	snop;
	(pc) =	sbr.ind lr, $3  }
0x3a: {  	_ = 	snop  }
0x3b: {  	_ = 	snop  }
0x3c: {  	p2 =	seq.s32 s10, $0x1;
	s10 =	sld [smem:$0x3FB9]  }
0x3d: {  	_ =	shalt  }
0x3e: {  	_ =	shalt  }
0x3f: {  	_ =	shalt  }
0x40: {  	_ =	shalt  }
0x41: {  	_ =	shalt  }
0x42: {  	_ =	shalt  }
0x43: {  	_ =	shalt  }
0x44: {  	_ =	shalt  }
0x45: {  	_ =	shalt  }
0x46: {  	_ =	shalt  }
0x47: {  	_ =	shalt  }
0x48: {  	_ =	shalt  }
0x49: {  	_ =	shalt  }
0x4a: {  	_ =	shalt  }
0x4b: {  	_ =	shalt  }
0x4c: {  	_ =	shalt  }
0x4d: {  	_ =	shalt  }
0x4e: {  	_ =	shalt  }
0x4f: {  	_ =	shalt  }
0x50: {  	_ =	shalt  }
0x51: {  	_ =	shalt  }
0x52: {  	_ =	shalt  }
0x53: {  	_ =	shalt  }
0x54: {  	_ =	shalt  }
0x55: {  	_ =	shalt  }
0x56: {  	_ =	shalt  }
0x57: {  	_ =	shalt  }
0x58: {  	_ =	shalt  }
0x59: {  	_ =	shalt  }
0x5a: {  	_ =	shalt  }
0x5b: {  	_ =	shalt  }
0x5c: {  	_ =	shalt  }
0x5d: {  	_ =	shalt  }
0x5e: {  	_ =	shalt  }
0x5f: {  	_ =	shalt  }
0x60: {  	_ =	shalt  }
0x61: {  	_ =	shalt  }
0x62: {  	_ =	shalt  }
0x63: {  	_ =	shalt  }
0x64: {  	_ =	shalt  }
0x65: {  	_ =	shalt  }
0x66: {  	_ =	shalt  }
0x67: {  	_ =	shalt  }
0x68: {  	_ =	shalt  }
0x69: {  	_ =	shalt  }
0x6a: {  	_ =	shalt  }
0x6b: {  	_ =	shalt  }
0x6c: {  	_ =	shalt  }
0x6d: {  	_ =	shalt  }
0x6e: {  	_ =	shalt  }
0x6f: {  	_ =	shalt  }
0x70: {  	_ =	shalt  }
0x71: {  	_ =	shalt  }
0x72: {  	_ =	shalt  }
0x73: {  	_ =	shalt  }
0x74: {  	_ =	shalt  }
0x75: {  	_ =	shalt  }
0x76: {  	_ =	shalt  }
0x77: {  	_ =	shalt  }
0x78: {  	_ =	shalt  }
0x79: {  	_ =	shalt  }
0x7a: {  	_ =	shalt  }
0x7b: {  	_ =	shalt  }
0x7c: {  	_ =	shalt  }
0x7d: {  	_ =	shalt  }
0x7e: {  	_ =	shalt  }
0x7f: {  	_ =	shalt  }
0x80: {  	_ =	shalt  }
0x81: {  	_ =	shalt  }
0x82: {  	_ =	shalt  }
0x83: {  	_ =	shalt  }
0x84: {  	_ =	shalt  }
0x85: {  	_ =	shalt  }
0x86: {  	_ =	shalt  }
0x87: {  	_ =	shalt  }
.Lfunc_end0:
.L_simem_size_0:
called_computation_lowered:
.L_overlay_start_0:
0x88: {  	s2 =	sld [smem:$0x3FD9]  }
0x89: {  	s3 =	sld [smem:$0x3FFE];
	_ =	sdelay $0x1  }
0x8a: {  	s1 =	srdreg.scid  }
0x8b: {  	s0 =	sand.u32 $0x1, s1  }
0x8c: {  	s18 =	sshll.u32 s0, $0xA;
	s2 =	sadd.s32 s3, s2  }
0x8d: {  	s2 =	sadd.s32 s2, s18  }
0x8e: {  	[smem:$0x3FC5] =	sst s2  }
0x8f: {  	_ = 	snop  }
0x90: {  	s2 =	sld [smem:$0x3FC9]  }
0x91: {  	s19 =	sld [smem:$0x3FC8]  }
0x92: {  	s4 =	sld [smem:$0x3FC7]  }
0x93: {  	s5 =	sld [smem:$0x3FD0];
	(tm) =	ssettm $0x1  }
0x94: {  	s6 =	sld [smem:$0x3FFB];
	_ =	sdelay $0x3  }
0x95: {  	_ =	strace s6  }
0x96: {  	s6 =	sld [smem:$0x3FFC];
	_ =	sdelay $0x3  }
0x97: {  	_ =	strace s6  }
0x98: {  	s6 =	sld [smem:$0x3FFD];
	_ =	sdelay $0x3  }
0x99: {  	_ =	strace s6  }
0x9a: {  	_ =	strace $0x8FFFFFFF  }
0x9b: {  	s20 =	sld [smem:$0x3FDB];
	_ =	sdelay $0x1  }
0x9c: {  	s7 =	simm.s32 $_scs_section_size  }
0x9d: {  	s8 =	simm.s32 $_size__tile_overlayer_lowered;
	s9 =	simm.s32 $_tile_overlayer_lowered  }
0x9e: {  	s23 =	simm.s32 $0x1BFF;
	s22 =	sshll.u32 s9, $0x1;
	s6 =	sadd.s32 s7, s20  }
0x9f: {  	s10 =	simm.s32 $0x0;
	s21 =	sshll.u32 s8, $0x1;
	s8 =	sadd.s32 s22, s6  }
0xa0: {  	[timem:s10], [sflag:s23] =	dma.local [hbm:s8], s21  }
0xa1: {  	_ =	swait.ge [sflag:s23], s21  }
0xa2: {  	s7 =	ssub.s32 $0x0, s21;
	[sflag:s23] =	ssyncset.done $0x0  }
0xa3: {  	[sflag:s23] =	ssyncadd.s32 s7;
	_ =	sdelay $0x1  }
0xa4: {  	s24 =	simm.s32 $0x1B8B  }
0xa5: {  	_ =	swait.ge [sflag:s24], $0x1  }
0xa6: {  	[sflag:s24] =	ssyncset.done $0x0  }
0xa7: {  	s25 =	simm.s32 $0x1B8E;
	[sflag:s24] =	ssyncadd.s32 $0xFFFFFFFF  }
0xa8: {  	s26 =	simm.s32 $execute0_lowered;
	[smem:$0x3FD2] =	sst s25  }
0xa9: {  	s7 =	sshll.u32 s26, $0x1;
	_ =	strace $0x80000046;
	[dreg:$0x1] =	wrdreg $0xFFFFFFFF  }
0xaa: {  	s28 =	simm.s32 $_size_execute0_lowered;
	s6 =	sadd.s32 s6, s7;
	[dreg:$0x0] =	wrdreg $0x0  }
0xab: {  	s7 =	sshll.u32 s28, $0x1;
	[dreg:$0x2] =	wrdreg s6  }
0xac: {  	[dreg:$0x3] =	wrdreg s7  }
0xad: {  	[dreg:$0x4] =	wrdreg $0xC0  }
0xae: {  	_ =	task [dreg:s10], $0x5FFFF  }
0xaf: {  	[dreg:$0x1] =	wrdreg $0xFFFFFFFF  }
0xb0: {  	[dreg:$0x0] =	wrdreg $0x60  }
0xb1: {  	[dreg:$0x2] =	wrdreg s2  }
0xb2: {  	[dreg:$0x3] =	wrdreg s19  }
0xb3: {  	[dreg:$0x4] =	wrdreg s4  }
0xb4: {  	[dreg:$0x5] =	wrdreg s5  }
0xb5: {  	[dreg:$0x6] =	wrdreg $0x9  }
0xb6: {  	_ =	task.clear_ibuf [dreg:s10], $0x7FFFF;
	_ =	strace $0x90000046  }
0xb7: {  	s29 =	simm.s32 $0x9;
	_ =	strace $0x80000048  }
0xb8: {  	_ =	swait.ge [sflag:s29], $0x1  }
0xb9: {  	[sflag:s29] =	ssyncadd.s32 $0xFFFFFFFF  }
0xba: {  	_ =	strace $0x90000048  }
0xbb: {  	_ =	sfence  }
0xbc: {  	s30 =	sld [smem:$0x0];
	_ =	sdelay $0x2  }
0xbd: {  	s31 =	sshll.u32 s1, $0xD;
	s1 =	sshrl.u32 s1, $0x2  }
0xbe: {  	s3 =	sand.u32 $0x4000, s31;
	s1 =	sadd.s32 s1, s30  }
0xbf: {  	s0 =	sor.u32 s3, s0;
	s1 =	sshll.u32 s1, $0x11  }
0xc0: {  	s0 =	sor.u32 s1, s0  }
0xc1: {  	s0 =	sadd.s32 $0x8F2B, s0  }
0xc2: {  	[sflag:s0] =	ssyncadd.remote.s32 $0x1  }
0xc3: {  	_ =	sfence.sel $0xFFFF  }
0xc4: {  	[dreg:$0x0] =	wrdreg $0xFFFFFFFF;
	(pc) =	sbr.abs _section_cstart, $3  }
0xc5: {  	[dreg:$0x1] =	wrdreg $0xFFFFFFFF  }
0xc6: {  	_ =	task.clear_ibuf [dreg:s10], $0x2FFFF;
	_ =	strace $0x9FFFFFFF  }
0xc7: {  	(tm) =	ssettm $0x7FFFFFFF  }
tec
execute0_lowered:
.L_overlay_start_1:
0x0: {  	(tag) =	ssettag $0x1  }
0x1: {  	s0 =	rddreg [dreg:$0x0]  }
0x2: {  	s1 =	rddreg [dreg:$0x1];
	s2 =	srdreg.scid  }
0x3: {  	s4 =	rddreg [dreg:$0x2];
	s3 =	stileid.u32  }
0x4: {  	s6 =	rddreg [dreg:$0x3];
	s16 =	simm.s32 $0xC;
	s12 =	simm.s32 $0xB  }
0x5: {  	s13 =	simm.s32 $0x6;
	s14 =	simm.s32 $0x7;
	s15 =	simm.s32 $0x8  }
0x6: {  	s17 =	simm.s32 $0x9;
	s18 =	simm.s32 $0xA;
	s2 =	sand.u32 $0x1, s2  }
0x7: {  	s19 =	simm.s32 $0x0;
	s3 =	sshll.u32 s3, $0x7;
	s5 =	sshll.u32 s2, $0x6  }
0x8: {  	s2 =	ssub.s32 $0x2, s2;
	s7 =	sor.u32 s5, s3;
	s3 =	simm.s32 $0x0  }
0x9: {  	s9 =	sshrl.u32 s2, $0x1;
	s8 =	sshll.u32 s7, $0x2;
	[smem:$0x7FF] =	sst s3  }
0xa: {  	s2 =	ssub.s32 s2, s9;
	s7 =	sshll.u32 s7, $0x6;
	s10 =	sand.u32 $0x1E00, s8  }
0xb: {  	_ =	strace $0x80000047;
	s8 =	sor.u32 s5, s8;
	s4 =	sadd.s32 s4, s7  }
0xc: {  	s11 =	smax.u32 s2, $0x1;
	s28 =	sor.u32 s5, s10;
	s29 =	sshrl.u32 s8, $0x3  }
0xd: {  	[dreg:$0x5] =	wrdreg s4;
	s9 =	sshrl.u32 s28, $0x3;
	s31 =	sor.u32 $0x20, s29  }
0xe: {  	v2 =	vlaneseq.u32;
	s10 =	sadd.s32 s6, s7;
	s5 =	sadd.s32 s0, s9;
	s8 =	sadd.s32 s0, s31  }
0xf: {  	vm0 =	vmmov $0xffff;
	v1 =	vshrl.u32 v2, $0x3;
	s4 =	sor.u32 $0x30, s29;
	s30 =	sadd.s32 $0x10, s5;
	[dreg:$0x7] =	wrdreg s8  }
0x10: {  	v0 =	vand.u32 $0x7, v2;
	v2 =	vor.u32 $0x8, v2;
	v1 =	vmul.u32 $0x8, v1;
	s9 =	sadd.s32 $0x100, s1;
	s8 =	sadd.s32 s0, s4;
	[dreg:$0x6] =	wrdreg s30  }
.LBB2_1:
0x11: {  	s0 =	rddreg [dreg:$0x5];
	s2 =	simm.s32 $0x200  }
0x12: {  	[tilespmem:s2], [sflag:$0xB] =	stream.linear.gather [hbm4b:s0+s3], $0x8000, $0x38;
	[tilespmem:$0x1C200] =	vst v63  }
0x13: {  	_ = 	snop  }
0x14: {  	[tilespmem:s3], [sflag:$0xC] =	stream.linear.gather [hbm4b:s5+s3], $0x40, $0x38;
	[tilespmem:$0x1C200] =	vst v63  }
0x15: {  	s25 =	rddreg [dreg:$0x6];
	s26 =	simm.s32 $0x80  }
0x16: {  	[tilespmem:s26], [sflag:$0xC] =	stream.linear.gather [hbm4b:s25+s3], $0x40, $0x38;
	[tilespmem:$0x1C200] =	vst v63  }
0x17: {  	s28 =	rddreg [dreg:$0x7];
	s29 =	simm.s32 $0x100  }
0x18: {  	[tilespmem:s29], [sflag:$0xC] =	stream.linear.gather [hbm4b:s28+s3], $0x40, $0x38;
	[tilespmem:$0x1C200] =	vst v63  }
0x19: {  	s30 =	simm.s32 $0x180  }
0x1a: {  	[tilespmem:s30], [sflag:$0xC] =	stream.linear.gather [hbm4b:s8+s3], $0x40, $0x38;
	[tilespmem:$0x1C200] =	vst v63  }
0x1b: {  	_ =	swait.ge [sflag:s16], $0x40  }
0x1c: {  	[sflag:s16] =	ssyncset.done $0x0  }
0x1d: {  	[sflag:s16] =	ssyncadd.s32 $0xFFFFFFC0  }
0x1e: {  	_ =	swait.ge [sflag:s16], $0x40  }
0x1f: {  	[sflag:s16] =	ssyncset.done $0x0  }
0x20: {  	[sflag:s16] =	ssyncadd.s32 $0xFFFFFFC0  }
0x21: {  	_ =	swait.ge [sflag:s16], $0x40  }
0x22: {  	[sflag:s16] =	ssyncset.done $0x0  }
0x23: {  	[sflag:s16] =	ssyncadd.s32 $0xFFFFFFC0  }
0x24: {  	_ =	swait.ge [sflag:s16], $0x40  }
0x25: {  	[sflag:s16] =	ssyncset.done $0x0  }
0x26: {  	[sflag:s16] =	ssyncadd.s32 $0xFFFFFFC0  }
0x27: {  	v3 =	vld [tilespmem:$0x0];
	_ =	sdelay $0x4  }
0x28: {  	v4 =	vshll.u32 v3, $0x2  }
0x29: {  	v3 =	vand.u32 $0x7, v3;
	v4 =	vand.u32 $0xFFFFFFE0, v4  }
0x2a: {  	v3 =	vor.u32 v3, v4  }
0x2b: {  	v4 =	vperm.xlane v3, v0;
	_ =	sdelay $0x1  }
0x2c: {  	v4 =	vadd.s32 v1, v4;
	_ =	sdelay $0x1  }
0x2d: {  	v3 =	vperm.xlane v3, v2;
	_ =	sdelay $0x1  }
0x2e: {  	s31 =	simm.s32 $0x8200;
	v3 =	vadd.s32 v1, v3  }
0x2f: {  	[tilespmem:s31], [sflag:$0x1] =	stream.indirect_vreg.gather [hbm4b:s1+s3], $0x80, v4, vm0, $0xb8;
	[tilespmem:$0x1C200] =	vst v63  }
0x30: {  	s2 =	simm.s32 $0x8A00  }
0x31: {  	[tilespmem:s2], [sflag:$0x1] =	stream.indirect_vreg.gather [hbm4b:s9+s3], $0x80, v4, vm0, $0xb8;
	[tilespmem:$0x1C200] =	vst v63  }
0x32: {  	s4 =	simm.s32 $0x9200  }
0x33: {  	[tilespmem:s4], [sflag:$0x1] =	stream.indirect_vreg.gather [hbm4b:s1+s3], $0x80, v3, vm0, $0xb8;
	[tilespmem:$0x1C200] =	vst v63  }
0x34: {  	s6 =	simm.s32 $0x9A00  }
0x35: {  	[tilespmem:s6], [sflag:$0x1] =	stream.indirect_vreg.gather [hbm4b:s9+s3], $0x80, v3, vm0, $0xb8;
	[tilespmem:$0x1C200] =	vst v63  }
0x36: {  	v3 =	vld [tilespmem:$0x10];
	_ =	sdelay $0x4  }
0x37: {  	v61 =	vshll.u32 v3, $0x2  }
0x38: {  	v3 =	vand.u32 $0x7, v3;
	v4 =	vand.u32 $0xFFFFFFE0, v61  }
0x39: {  	v3 =	vor.u32 v3, v4  }
0x3a: {  	v4 =	vperm.xlane v3, v0;
	_ =	sdelay $0x1  }
0x3b: {  	v4 =	vadd.s32 v1, v4;
	_ =	sdelay $0x1  }
0x3c: {  	v3 =	vperm.xlane v3, v2;
	_ =	sdelay $0x1  }
0x3d: {  	s7 =	simm.s32 $0xA200;
	v3 =	vadd.s32 v1, v3  }
0x3e: {  	[tilespmem:s7], [sflag:$0x1] =	stream.indirect_vreg.gather [hbm4b:s1+s3], $0x80, v4, vm0, $0xb8;
	[tilespmem:$0x1C200] =	vst v63  }
0x3f: {  	s20 =	simm.s32 $0xAA00  }
0x40: {  	[tilespmem:s20], [sflag:$0x1] =	stream.indirect_vreg.gather [hbm4b:s9+s3], $0x80, v4, vm0, $0xb8;
	[tilespmem:$0x1C200] =	vst v63  }
0x41: {  	s21 =	simm.s32 $0xB200  }
0x42: {  	[tilespmem:s21], [sflag:$0x1] =	stream.indirect_vreg.gather [hbm4b:s1+s3], $0x80, v3, vm0, $0xb8;
	[tilespmem:$0x1C200] =	vst v63  }
0x43: {  	s22 =	simm.s32 $0xBA00  }
0x44: {  	[tilespmem:s22], [sflag:$0x1] =	stream.indirect_vreg.gather [hbm4b:s9+s3], $0x80, v3, vm0, $0xb8;
	[tilespmem:$0x1C200] =	vst v63  }
0x45: {  	v3 =	vld [tilespmem:$0x20];
	_ =	sdelay $0x4  }
0x46: {  	v62 =	vshll.u32 v3, $0x2  }
0x47: {  	v3 =	vand.u32 $0x7, v3;
	v4 =	vand.u32 $0xFFFFFFE0, v62  }
0x48: {  	v3 =	vor.u32 v3, v4  }
0x49: {  	v4 =	vperm.xlane v3, v0;
	_ =	sdelay $0x1  }
0x4a: {  	v4 =	vadd.s32 v1, v4;
	_ =	sdelay $0x1  }
0x4b: {  	v3 =	vperm.xlane v3, v2;
	_ =	sdelay $0x1  }
0x4c: {  	s23 =	simm.s32 $0xC200;
	v3 =	vadd.s32 v1, v3  }
0x4d: {  	[tilespmem:s23], [sflag:$0x2] =	stream.indirect_vreg.gather [hbm4b:s1+s3], $0x80, v4, vm0, $0xb8;
	[tilespmem:$0x1C200] =	vst v63  }
0x4e: {  	s24 =	simm.s32 $0xCA00  }
0x4f: {  	[tilespmem:s24], [sflag:$0x2] =	stream.indirect_vreg.gather [hbm4b:s9+s3], $0x80, v4, vm0, $0xb8;
	[tilespmem:$0x1C200] =	vst v63  }
0x50: {  	s25 =	simm.s32 $0xD200  }
0x51: {  	[tilespmem:s25], [sflag:$0x2] =	stream.indirect_vreg.gather [hbm4b:s1+s3], $0x80, v3, vm0, $0xb8;
	[tilespmem:$0x1C200] =	vst v63  }
0x52: {  	s26 =	simm.s32 $0xDA00  }
0x53: {  	[tilespmem:s26], [sflag:$0x2] =	stream.indirect_vreg.gather [hbm4b:s9+s3], $0x80, v3, vm0, $0xb8;
	[tilespmem:$0x1C200] =	vst v63  }
0x54: {  	v3 =	vld [tilespmem:$0x30];
	_ =	sdelay $0x4  }
0x55: {  	v63 =	vshll.u32 v3, $0x2  }
0x56: {  	v3 =	vand.u32 $0x7, v3;
	v4 =	vand.u32 $0xFFFFFFE0, v63  }
0x57: {  	v3 =	vor.u32 v3, v4  }
0x58: {  	v4 =	vperm.xlane v3, v0;
	_ =	sdelay $0x1  }
0x59: {  	v4 =	vadd.s32 v1, v4;
	_ =	sdelay $0x1  }
0x5a: {  	v3 =	vperm.xlane v3, v2;
	_ =	sdelay $0x1  }
0x5b: {  	s28 =	simm.s32 $0xE200;
	v3 =	vadd.s32 v1, v3  }
0x5c: {  	[tilespmem:s28], [sflag:$0x2] =	stream.indirect_vreg.gather [hbm4b:s1+s3], $0x80, v4, vm0, $0xb8;
	[tilespmem:$0x1C200] =	vst v63  }
0x5d: {  	s29 =	simm.s32 $0xEA00  }
0x5e: {  	[tilespmem:s29], [sflag:$0x2] =	stream.indirect_vreg.gather [hbm4b:s9+s3], $0x80, v4, vm0, $0xb8;
	[tilespmem:$0x1C200] =	vst v63  }
0x5f: {  	s30 =	simm.s32 $0xF200  }
0x60: {  	[tilespmem:s30], [sflag:$0x2] =	stream.indirect_vreg.gather [hbm4b:s1+s3], $0x80, v3, vm0, $0xb8;
	[tilespmem:$0x1C200] =	vst v63  }
0x61: {  	s31 =	simm.s32 $0xFA00  }
0x62: {  	[tilespmem:s31], [sflag:$0x2] =	stream.indirect_vreg.gather [hbm4b:s9+s3], $0x80, v3, vm0, $0xb8;
	[tilespmem:$0x1C200] =	vst v63  }
0x63: {  	_ =	swait.ge [sflag:s12], $0x8000  }
0x64: {  	[sflag:s12] =	ssyncset.done $0x0  }
0x65: {  	s20 =	simm.s32 $0x0;
	[sflag:s12] =	ssyncadd.s32 $0xFFFF8000  }
.LBB2_2:
0x66: {  	p0 =	sgt.u32 s20, $0x5  }
0x67: {  	p1 =	slt.u32 @!p0 s20, $0x3  }
0x68: {  	p2 =	por p1, p0  }
0x69: {  	s0 =	sadd.s32 $0x2, s20;
	s2 =	sadd.s32 @!p2 $0x3, s20  }
0x6a: {  	s4 =	sshll.u32 @!p0 s0, $0x5;
	s6 =	sshll.u32 @!p0 s0, $0x6;
	_ =	swait.ge @!p2 [sflag:s2], $0x4000  }
0x6b: {  	s4 =	sand.u32 @!p0 $0x20, s4;
	s6 =	sand.u32 @!p0 $0x3FFFFF80, s6;
	[sflag:s2] =	ssyncset.done @!p2 $0x0  }
0x6c: {  	[sflag:s2] =	ssyncadd.s32 @!p2 $0xFFFFC000;
	s2 =	sor.u32 @!p0 s4, s6  }
0x6d: {  	v3 =	vld @!p0 [tilespmem:s2+$0x0];
	_ =	sdelay $0x4  }
0x6e: {  	v4 =	vshll.u32 @!p0 v3, $0x2  }
0x6f: {  	v5 =	vlaneseq.u32 @!p0;
	v3 =	vand.u32 @!p0 $0x7, v3;
	v4 =	vand.u32 @!p0 $0xFFFFFFE0, v4  }
0x70: {  	v6 =	vshrl.u32 @!p0 v5, $0x3;
	v3 =	vor.u32 @!p0 v3, v4;
	v4 =	vand.u32 @!p0 $0x7, v5  }
0x71: {  	v6 =	vmul.u32 @!p0 $0x8, v6;
	v7 =	vperm.xlane @!p0 v3, v4;
	_ =	sdelay $0x1  }
0x72: {  	p1 =	por !p1, p0;
	s4 =	sadd.s32 @!p0 $0xFFFFFFFD, s20;
	v7 =	vadd.s32 @!p0 v6, v7  }
0x73: {  	s0 =	smov.u32 @p1 s4;
	v5 =	vor.u32 @!p0 $0x8, v5  }
0x74: {  	s4 =	sshll.u32 @!p0 s0, $0xE;
	v3 =	vperm.xlane @!p0 v3, v5  }
0x75: {  	s4 =	sand.u32 @!p0 $0x3FFFC000, s4  }
0x76: {  	vm1 =	vmmov @!p0 $0xffff;
	s7 =	simm.s32 @!p0 $0x0;
	s0 =	sadd.s32 @!p0 $0x1, s0;
	s6 =	sadd.s32 @!p0 $0x8200, s4;
	v3 =	vadd.s32 @!p0 v6, v3  }
0x77: {  	[tilespmem:s6], [sflag:s0] =	stream.indirect_vreg.gather @!p0 [hbm4b:s1+s7], $0x80, v7, vm1, $0xb8;
	[tilespmem:$0x1C200] =	vst v63  }
0x78: {  	s6 =	sadd.s32 @!p0 $0x8A00, s4  }
0x79: {  	[tilespmem:s6], [sflag:s0] =	stream.indirect_vreg.gather @!p0 [hbm4b:s9+s7], $0x80, v7, vm1, $0xb8;
	[tilespmem:$0x1C200] =	vst v63  }
0x7a: {  	s6 =	sadd.s32 @!p0 $0x9200, s4  }
0x7b: {  	[tilespmem:s6], [sflag:s0] =	stream.indirect_vreg.gather @!p0 [hbm4b:s1+s7], $0x80, v3, vm1, $0xb8;
	[tilespmem:$0x1C200] =	vst v63  }
0x7c: {  	s6 =	sadd.s32 @!p0 $0x9A00, s4  }
0x7d: {  	[tilespmem:s6], [sflag:s0] =	stream.indirect_vreg.gather @!p0 [hbm4b:s9+s7], $0x80, v3, vm1, $0xb8;
	[tilespmem:$0x1C200] =	vst v63  }
0x7e: {  	v3 =	vld @!p0 [tilespmem:s2+$0x10];
	_ =	sdelay $0x4  }
0x7f: {  	v7 =	vshll.u32 @!p0 v3, $0x2  }
0x80: {  	v3 =	vand.u32 @!p0 $0x7, v3;
	v7 =	vand.u32 @!p0 $0xFFFFFFE0, v7  }
0x81: {  	v3 =	vor.u32 @!p0 v3, v7  }
0x82: {  	v4 =	vperm.xlane @!p0 v3, v4;
	_ =	sdelay $0x1  }
0x83: {  	v4 =	vadd.s32 @!p0 v6, v4;
	_ =	sdelay $0x1  }
0x84: {  	v3 =	vperm.xlane @!p0 v3, v5;
	_ =	sdelay $0x1  }
0x85: {  	s2 =	sadd.s32 @!p0 $0xA200, s4;
	v3 =	vadd.s32 @!p0 v6, v3  }
0x86: {  	[tilespmem:s2], [sflag:s0] =	stream.indirect_vreg.gather @!p0 [hbm4b:s1+s7], $0x80, v4, vm1, $0xb8;
	[tilespmem:$0x1C200] =	vst v63  }
0x87: {  	s2 =	sadd.s32 @!p0 $0xAA00, s4  }
0x88: {  	[tilespmem:s2], [sflag:s0] =	stream.indirect_vreg.gather @!p0 [hbm4b:s9+s7], $0x80, v4, vm1, $0xb8;
	[tilespmem:$0x1C200] =	vst v63  }
0x89: {  	s31 =	sadd.s32 $0xFFFFFFFB, s20;
	s2 =	sadd.s32 @!p0 $0xB200, s4  }
0x8a: {  	[tilespmem:s2], [sflag:s0] =	stream.indirect_vreg.gather @!p0 [hbm4b:s1+s7], $0x80, v3, vm1, $0xb8;
	[tilespmem:$0x1C200] =	vst v63  }
0x8b: {  	s21 =	smin.u32 s20, s31;
	s2 =	sadd.s32 @!p0 $0xBA00, s4  }
0x8c: {  	[tilespmem:s2], [sflag:s0] =	stream.indirect_vreg.gather @!p0 [hbm4b:s9+s7], $0x80, v3, vm1, $0xb8;
	[tilespmem:$0x1C200] =	vst v63  }
0x8d: {  	s0 =	sadd.s32 $0x1, s21  }
0x8e: {  	_ =	swait.ge [sflag:s0], $0x4000  }
0x8f: {  	s22 =	sand.u32 $0x1, s20;
	s25 =	simm.s32 $0x0;
	[sflag:s0] =	ssyncset.done $0x0  }
0x90: {  	s24 =	sshll.u32 s22, $0x5;
	s23 =	sshll.u32 s21, $0x5;
	[sflag:s0] =	ssyncadd.s32 $0xFFFFC000  }
.LBB2_3:
0x91: {  	s0 =	sadd.s32 s24, s25  }
0x92: {  	s0 =	sshll.u32 s0, $0x9  }
0x93: {  	s29 =	sand.u32 $0x3FFFFE00, s0  }
0x94: {  	v3 =	vld [tilespmem:s29+$0x200];
	_ =	sdelay $0x1  }
0x95: {  	s2 =	sadd.s32 s23, s25  }
0x96: {  	s0 =	sshll.u32 s2, $0xB  }
0x97: {  	s26 =	sshra.s32 s0, $0x2  }
0x98: {  	[tilespmem:s26+$0x8200] =	vst.add.f32.msk $0xffff, v3  }
0x99: {  	v3 =	vld [tilespmem:s29+$0x210];
	_ =	sdelay $0x4  }
0x9a: {  	[tilespmem:s26+$0x8210] =	vst.add.f32.msk $0xffff, v3  }
0x9b: {  	v3 =	vld [tilespmem:s29+$0x220];
	_ =	sdelay $0x4  }
0x9c: {  	[tilespmem:s26+$0x8220] =	vst.add.f32.msk $0xffff, v3  }
0x9d: {  	v3 =	vld [tilespmem:s29+$0x230];
	_ =	sdelay $0x4  }
0x9e: {  	[tilespmem:s26+$0x8230] =	vst.add.f32.msk $0xffff, v3  }
0x9f: {  	v3 =	vld [tilespmem:s29+$0x240];
	_ =	sdelay $0x4  }
0xa0: {  	[tilespmem:s26+$0x8240] =	vst.add.f32.msk $0xffff, v3  }
0xa1: {  	v3 =	vld [tilespmem:s29+$0x250];
	_ =	sdelay $0x4  }
0xa2: {  	[tilespmem:s26+$0x8250] =	vst.add.f32.msk $0xffff, v3  }
0xa3: {  	v3 =	vld [tilespmem:s29+$0x260];
	_ =	sdelay $0x1  }
0xa4: {  	v4 =	vld [tilespmem:s29+$0x280];
	_ =	sdelay $0x2  }
0xa5: {  	[tilespmem:s26+$0x8260] =	vst.add.f32.msk $0xffff, v3  }
0xa6: {  	v3 =	vld [tilespmem:s29+$0x270]  }
0xa7: {  	[tilespmem:s26+$0x8280] =	vst.add.f32.msk $0xffff, v4  }
0xa8: {  	v4 =	vld [tilespmem:s29+$0x290];
	_ =	sdelay $0x2  }
0xa9: {  	[tilespmem:s26+$0x8270] =	vst.add.f32.msk $0xffff, v3  }
0xaa: {  	v3 =	vld [tilespmem:s29+$0x600]  }
0xab: {  	[tilespmem:s26+$0x8290] =	vst.add.f32.msk $0xffff, v4  }
0xac: {  	v4 =	vld [tilespmem:s29+$0x2A0];
	_ =	sdelay $0x2  }
0xad: {  	[tilespmem:s26+$0x8600] =	vst.add.f32.msk $0xffff, v3  }
0xae: {  	v3 =	vld [tilespmem:s29+$0x610]  }
0xaf: {  	[tilespmem:s26+$0x82A0] =	vst.add.f32.msk $0xffff, v4  }
0xb0: {  	v4 =	vld [tilespmem:s29+$0x2B0];
	_ =	sdelay $0x2  }
0xb1: {  	[tilespmem:s26+$0x8610] =	vst.add.f32.msk $0xffff, v3  }
0xb2: {  	v3 =	vld [tilespmem:s29+$0x620]  }
0xb3: {  	[tilespmem:s26+$0x82B0] =	vst.add.f32.msk $0xffff, v4  }
0xb4: {  	v4 =	vld [tilespmem:s29+$0x2C0];
	_ =	sdelay $0x2  }
0xb5: {  	[tilespmem:s26+$0x8620] =	vst.add.f32.msk $0xffff, v3  }
0xb6: {  	v3 =	vld [tilespmem:s29+$0x630]  }
0xb7: {  	[tilespmem:s26+$0x82C0] =	vst.add.f32.msk $0xffff, v4  }
0xb8: {  	v4 =	vld [tilespmem:s29+$0x2D0];
	_ =	sdelay $0x2  }
0xb9: {  	[tilespmem:s26+$0x8630] =	vst.add.f32.msk $0xffff, v3  }
0xba: {  	v3 =	vld [tilespmem:s29+$0x640]  }
0xbb: {  	[tilespmem:s26+$0x82D0] =	vst.add.f32.msk $0xffff, v4  }
0xbc: {  	v4 =	vld [tilespmem:s29+$0x2E0];
	_ =	sdelay $0x2  }
0xbd: {  	[tilespmem:s26+$0x8640] =	vst.add.f32.msk $0xffff, v3  }
0xbe: {  	v3 =	vld [tilespmem:s29+$0x650]  }
0xbf: {  	[tilespmem:s26+$0x82E0] =	vst.add.f32.msk $0xffff, v4  }
0xc0: {  	v4 =	vld [tilespmem:s29+$0x2F0];
	_ =	sdelay $0x2  }
0xc1: {  	[tilespmem:s26+$0x8650] =	vst.add.f32.msk $0xffff, v3  }
0xc2: {  	v3 =	vld [tilespmem:s29+$0x660]  }
0xc3: {  	[tilespmem:s26+$0x82F0] =	vst.add.f32.msk $0xffff, v4  }
0xc4: {  	v4 =	vld [tilespmem:s29+$0x680];
	_ =	sdelay $0x2  }
0xc5: {  	[tilespmem:s26+$0x8660] =	vst.add.f32.msk $0xffff, v3  }
0xc6: {  	v3 =	vld [tilespmem:s29+$0x670]  }
0xc7: {  	[tilespmem:s26+$0x8680] =	vst.add.f32.msk $0xffff, v4  }
0xc8: {  	v4 =	vld [tilespmem:s29+$0x690];
	_ =	sdelay $0x2  }
0xc9: {  	[tilespmem:s26+$0x8670] =	vst.add.f32.msk $0xffff, v3  }
0xca: {  	v3 =	vld [tilespmem:s29+$0xA00]  }
0xcb: {  	[tilespmem:s26+$0x8690] =	vst.add.f32.msk $0xffff, v4  }
0xcc: {  	v4 =	vld [tilespmem:s29+$0x6A0];
	_ =	sdelay $0x2  }
0xcd: {  	[tilespmem:s26+$0x8A00] =	vst.add.f32.msk $0xffff, v3  }
0xce: {  	v3 =	vld [tilespmem:s29+$0xA10]  }
0xcf: {  	[tilespmem:s26+$0x86A0] =	vst.add.f32.msk $0xffff, v4  }
0xd0: {  	v4 =	vld [tilespmem:s29+$0x6B0];
	_ =	sdelay $0x2  }
0xd1: {  	[tilespmem:s26+$0x8A10] =	vst.add.f32.msk $0xffff, v3  }
0xd2: {  	v3 =	vld [tilespmem:s29+$0xA20]  }
0xd3: {  	[tilespmem:s26+$0x86B0] =	vst.add.f32.msk $0xffff, v4  }
0xd4: {  	v4 =	vld [tilespmem:s29+$0x6C0];
	_ =	sdelay $0x1  }
0xd5: {  	v53 =	vld [tilespmem:s29+$0x380]  }
0xd6: {  	s7 =	sor.u32 $0x4, s25;
	s2 =	sor.u32 $0x2, s25;
	[tilespmem:s26+$0x8A20] =	vst.add.f32.msk $0xffff, v3  }
0xd7: {  	s6 =	sor.u32 s24, s7;
	s4 =	sor.u32 s24, s2;
	s2 =	sor.u32 s23, s2;
	v3 =	vld [tilespmem:s29+$0xA30]  }
0xd8: {  	s30 =	sshll.u32 s2, $0x9;
	s2 =	sshll.u32 s6, $0x9;
	[tilespmem:s26+$0x86C0] =	vst.add.f32.msk $0xffff, v4  }
0xd9: {  	s6 =	sand.u32 $0x7000, s2;
	v4 =	vld [tilespmem:s29+$0x6D0]  }
0xda: {  	v7 =	vld [tilespmem:s6+$0x400]  }
0xdb: {  	[tilespmem:s26+$0x8380] =	vst.add.f32.msk $0xffff, v53  }
0xdc: {  	[tilespmem:s26+$0x8A30] =	vst.add.f32.msk $0xffff, v3  }
0xdd: {  	s7 =	sor.u32 s23, s7;
	v3 =	vld [tilespmem:s29+$0xA40]  }
0xde: {  	s28 =	sshll.u32 s7, $0x9;
	[tilespmem:s26+$0x86D0] =	vst.add.f32.msk $0xffff, v4  }
0xdf: {  	s7 =	sand.u32 $0x1F000, s28;
	v4 =	vld [tilespmem:s29+$0x6E0]  }
0xe0: {  	[tilespmem:s7+$0x8400] =	vst.add.f32.msk $0xffff, v7  }
0xe1: {  	v54 =	vld [tilespmem:s29+$0x390]  }
0xe2: {  	[tilespmem:s26+$0x8A40] =	vst.add.f32.msk $0xffff, v3  }
0xe3: {  	v3 =	vld [tilespmem:s29+$0xA50]  }
0xe4: {  	[tilespmem:s26+$0x86E0] =	vst.add.f32.msk $0xffff, v4  }
0xe5: {  	v4 =	vld [tilespmem:s29+$0x6F0]  }
0xe6: {  	v7 =	vld [tilespmem:s6+$0x410]  }
0xe7: {  	[tilespmem:s26+$0x8390] =	vst.add.f32.msk $0xffff, v54  }
0xe8: {  	[tilespmem:s26+$0x8A50] =	vst.add.f32.msk $0xffff, v3  }
0xe9: {  	v3 =	vld [tilespmem:s29+$0xA60]  }
0xea: {  	[tilespmem:s26+$0x86F0] =	vst.add.f32.msk $0xffff, v4  }
0xeb: {  	v4 =	vld [tilespmem:s29+$0xA80]  }
0xec: {  	[tilespmem:s7+$0x8410] =	vst.add.f32.msk $0xffff, v7  }
0xed: {  	v56 =	vld [tilespmem:s29+$0x3A0]  }
0xee: {  	[tilespmem:s26+$0x8A60] =	vst.add.f32.msk $0xffff, v3  }
0xef: {  	v3 =	vld [tilespmem:s29+$0xA70]  }
0xf0: {  	[tilespmem:s26+$0x8A80] =	vst.add.f32.msk $0xffff, v4  }
0xf1: {  	v4 =	vld [tilespmem:s29+$0xA90]  }
0xf2: {  	v57 =	vld [tilespmem:s6+$0x420]  }
0xf3: {  	s31 =	sshll.u32 s4, $0x9;
	[tilespmem:s26+$0x83A0] =	vst.add.f32.msk $0xffff, v56  }
0xf4: {  	s0 =	sand.u32 $0x7000, s31;
	[tilespmem:s26+$0x8A70] =	vst.add.f32.msk $0xffff, v3  }
0xf5: {  	v3 =	vld [tilespmem:s0+$0x300]  }
0xf6: {  	[tilespmem:s26+$0x8A90] =	vst.add.f32.msk $0xffff, v4  }
0xf7: {  	v4 =	vld [tilespmem:s29+$0xAA0]  }
0xf8: {  	[tilespmem:s7+$0x8420] =	vst.add.f32.msk $0xffff, v57  }
0xf9: {  	s4 =	sand.u32 $0x1F000, s30;
	v5 =	vld [tilespmem:s29+$0xE00]  }
0xfa: {  	[tilespmem:s4+$0x8300] =	vst.add.f32.msk $0xffff, v3  }
0xfb: {  	v3 =	vld [tilespmem:s0+$0x310]  }
0xfc: {  	[tilespmem:s26+$0x8AA0] =	vst.add.f32.msk $0xffff, v4  }
0xfd: {  	v4 =	vld [tilespmem:s29+$0xAB0]  }
0xfe: {  	[tilespmem:s26+$0x8E00] =	vst.add.f32.msk $0xffff, v5  }
0xff: {  	v5 =	vld [tilespmem:s29+$0xE10]  }
0x100: {  	[tilespmem:s4+$0x8310] =	vst.add.f32.msk $0xffff, v3  }
0x101: {  	v3 =	vld [tilespmem:s0+$0x320]  }
0x102: {  	[tilespmem:s26+$0x8AB0] =	vst.add.f32.msk $0xffff, v4  }
0x103: {  	v4 =	vld [tilespmem:s29+$0xAC0]  }
0x104: {  	[tilespmem:s26+$0x8E10] =	vst.add.f32.msk $0xffff, v5  }
0x105: {  	v5 =	vld [tilespmem:s29+$0xE20]  }
0x106: {  	[tilespmem:s4+$0x8320] =	vst.add.f32.msk $0xffff, v3  }
0x107: {  	v3 =	vld [tilespmem:s0+$0x330]  }
0x108: {  	[tilespmem:s26+$0x8AC0] =	vst.add.f32.msk $0xffff, v4  }
0x109: {  	v4 =	vld [tilespmem:s29+$0xAD0]  }
0x10a: {  	[tilespmem:s26+$0x8E20] =	vst.add.f32.msk $0xffff, v5  }
0x10b: {  	v5 =	vld [tilespmem:s29+$0xE30]  }
0x10c: {  	[tilespmem:s4+$0x8330] =	vst.add.f32.msk $0xffff, v3  }
0x10d: {  	v3 =	vld [tilespmem:s0+$0x340]  }
0x10e: {  	[tilespmem:s26+$0x8AD0] =	vst.add.f32.msk $0xffff, v4  }
0x10f: {  	v4 =	vld [tilespmem:s29+$0x3B0]  }
0x110: {  	[tilespmem:s26+$0x8E30] =	vst.add.f32.msk $0xffff, v5  }
0x111: {  	v5 =	vld [tilespmem:s29+$0xE40]  }
0x112: {  	v58 =	vld [tilespmem:s29+$0xAE0]  }
0x113: {  	[tilespmem:s4+$0x8340] =	vst.add.f32.msk $0xffff, v3  }
0x114: {  	[tilespmem:s26+$0x83B0] =	vst.add.f32.msk $0xffff, v4  }
0x115: {  	v3 =	vld [tilespmem:s0+$0x350]  }
0x116: {  	[tilespmem:s26+$0x8E40] =	vst.add.f32.msk $0xffff, v5  }
0x117: {  	v4 =	vld [tilespmem:s29+$0x3C0]  }
0x118: {  	[tilespmem:s26+$0x8AE0] =	vst.add.f32.msk $0xffff, v58  }
0x119: {  	v5 =	vld [tilespmem:s29+$0xE50]  }
0x11a: {  	v7 =	vld [tilespmem:s29+$0xAF0]  }
0x11b: {  	[tilespmem:s4+$0x8350] =	vst.add.f32.msk $0xffff, v3  }
0x11c: {  	[tilespmem:s26+$0x83C0] =	vst.add.f32.msk $0xffff, v4  }
0x11d: {  	v3 =	vld [tilespmem:s0+$0x360]  }
0x11e: {  	[tilespmem:s26+$0x8E50] =	vst.add.f32.msk $0xffff, v5  }
0x11f: {  	v4 =	vld [tilespmem:s29+$0x3D0]  }
0x120: {  	[tilespmem:s26+$0x8AF0] =	vst.add.f32.msk $0xffff, v7  }
0x121: {  	v5 =	vld [tilespmem:s29+$0xE60]  }
0x122: {  	v7 =	vld [tilespmem:s29+$0xE80]  }
0x123: {  	[tilespmem:s4+$0x8360] =	vst.add.f32.msk $0xffff, v3  }
0x124: {  	[tilespmem:s26+$0x83D0] =	vst.add.f32.msk $0xffff, v4  }
0x125: {  	v3 =	vld [tilespmem:s0+$0x370]  }
0x126: {  	[tilespmem:s26+$0x8E60] =	vst.add.f32.msk $0xffff, v5  }
0x127: {  	v5 =	vld [tilespmem:s6+$0x430]  }
0x128: {  	v4 =	vld [tilespmem:s29+$0x3E0]  }
0x129: {  	[tilespmem:s26+$0x8E80] =	vst.add.f32.msk $0xffff, v7  }
0x12a: {  	v7 =	vld [tilespmem:s29+$0xE90]  }
0x12b: {  	[tilespmem:s4+$0x8370] =	vst.add.f32.msk $0xffff, v3  }
0x12c: {  	[tilespmem:s7+$0x8430] =	vst.add.f32.msk $0xffff, v5  }
0x12d: {  	[tilespmem:s26+$0x83E0] =	vst.add.f32.msk $0xffff, v4  }
0x12e: {  	v3 =	vld [tilespmem:s31+$0x300]  }
0x12f: {  	v5 =	vld [tilespmem:s6+$0x440]  }
0x130: {  	v4 =	vld [tilespmem:s29+$0x3F0]  }
0x131: {  	[tilespmem:s26+$0x8E90] =	vst.add.f32.msk $0xffff, v7  }
0x132: {  	v7 =	vld [tilespmem:s29+$0xEA0]  }
0x133: {  	[tilespmem:s30+$0x8300] =	vst.add.f32.msk $0xffff, v3  }
0x134: {  	[tilespmem:s7+$0x8440] =	vst.add.f32.msk $0xffff, v5  }
0x135: {  	[tilespmem:s26+$0x83F0] =	vst.add.f32.msk $0xffff, v4  }
0x136: {  	v3 =	vld [tilespmem:s31+$0x310]  }
0x137: {  	v5 =	vld [tilespmem:s6+$0x450]  }
0x138: {  	v4 =	vld [tilespmem:s29+$0x780]  }
0x139: {  	[tilespmem:s26+$0x8EA0] =	vst.add.f32.msk $0xffff, v7  }
0x13a: {  	v7 =	vld [tilespmem:s29+$0xEB0]  }
0x13b: {  	[tilespmem:s30+$0x8310] =	vst.add.f32.msk $0xffff, v3  }
0x13c: {  	v3 =	vld [tilespmem:s29+$0xE70]  }
0x13d: {  	[tilespmem:s7+$0x8450] =	vst.add.f32.msk $0xffff, v5  }
0x13e: {  	[tilespmem:s26+$0x8780] =	vst.add.f32.msk $0xffff, v4  }
0x13f: {  	v5 =	vld [tilespmem:s6+$0x460]  }
0x140: {  	v6 =	vld [tilespmem:s31+$0x320]  }
0x141: {  	v4 =	vld [tilespmem:s29+$0x790]  }
0x142: {  	[tilespmem:s26+$0x8EB0] =	vst.add.f32.msk $0xffff, v7  }
0x143: {  	v7 =	vld [tilespmem:s29+$0xEC0]  }
0x144: {  	[tilespmem:s7+$0x8460] =	vst.add.f32.msk $0xffff, v5  }
0x145: {  	v5 =	vld [tilespmem:s6+$0x470]  }
0x146: {  	[tilespmem:s30+$0x8320] =	vst.add.f32.msk $0xffff, v6  }
0x147: {  	[tilespmem:s26+$0x8790] =	vst.add.f32.msk $0xffff, v4  }
0x148: {  	v52 =	vld [tilespmem:s31+$0x330]  }
0x149: {  	v4 =	vld [tilespmem:s29+$0x7A0]  }
0x14a: {  	[tilespmem:s7+$0x8470] =	vst.add.f32.msk $0xffff, v5  }
0x14b: {  	v5 =	vld [tilespmem:s6+$0x800]  }
0x14c: {  	[tilespmem:s26+$0x8EC0] =	vst.add.f32.msk $0xffff, v7  }
0x14d: {  	v7 =	vld [tilespmem:s29+$0xED0]  }
0x14e: {  	[tilespmem:s30+$0x8330] =	vst.add.f32.msk $0xffff, v52  }
0x14f: {  	v55 =	vld [tilespmem:s31+$0x340]  }
0x150: {  	[tilespmem:s7+$0x8800] =	vst.add.f32.msk $0xffff, v5  }
0x151: {  	v5 =	vld [tilespmem:s6+$0x810]  }
0x152: {  	[tilespmem:s26+$0x87A0] =	vst.add.f32.msk $0xffff, v4  }
0x153: {  	v4 =	vld [tilespmem:s29+$0x7B0]  }
0x154: {  	[tilespmem:s30+$0x8340] =	vst.add.f32.msk $0xffff, v55  }
0x155: {  	v6 =	vld [tilespmem:s31+$0x350]  }
0x156: {  	[tilespmem:s7+$0x8810] =	vst.add.f32.msk $0xffff, v5  }
0x157: {  	v5 =	vld [tilespmem:s6+$0x820]  }
0x158: {  	[tilespmem:s26+$0x87B0] =	vst.add.f32.msk $0xffff, v4  }
0x159: {  	v4 =	vld [tilespmem:s29+$0x7C0]  }
0x15a: {  	[tilespmem:s30+$0x8350] =	vst.add.f32.msk $0xffff, v6  }
0x15b: {  	v6 =	vld [tilespmem:s31+$0x360]  }
0x15c: {  	[tilespmem:s7+$0x8820] =	vst.add.f32.msk $0xffff, v5  }
0x15d: {  	v5 =	vld [tilespmem:s6+$0x830]  }
0x15e: {  	[tilespmem:s26+$0x87C0] =	vst.add.f32.msk $0xffff, v4  }
0x15f: {  	v4 =	vld [tilespmem:s29+$0x7D0]  }
0x160: {  	[tilespmem:s30+$0x8360] =	vst.add.f32.msk $0xffff, v6  }
0x161: {  	v6 =	vld [tilespmem:s31+$0x370]  }
0x162: {  	[tilespmem:s7+$0x8830] =	vst.add.f32.msk $0xffff, v5  }
0x163: {  	v5 =	vld [tilespmem:s6+$0x840]  }
0x164: {  	[tilespmem:s26+$0x87D0] =	vst.add.f32.msk $0xffff, v4  }
0x165: {  	v4 =	vld [tilespmem:s29+$0x7E0]  }
0x166: {  	[tilespmem:s30+$0x8370] =	vst.add.f32.msk $0xffff, v6  }
0x167: {  	v6 =	vld [tilespmem:s0+$0xB00]  }
0x168: {  	[tilespmem:s7+$0x8840] =	vst.add.f32.msk $0xffff, v5  }
0x169: {  	v5 =	vld [tilespmem:s6+$0x850]  }
0x16a: {  	[tilespmem:s26+$0x87E0] =	vst.add.f32.msk $0xffff, v4  }
0x16b: {  	v4 =	vld [tilespmem:s29+$0x7F0]  }
0x16c: {  	[tilespmem:s4+$0x8B00] =	vst.add.f32.msk $0xffff, v6  }
0x16d: {  	v6 =	vld [tilespmem:s0+$0xB10]  }
0x16e: {  	[tilespmem:s7+$0x8850] =	vst.add.f32.msk $0xffff, v5  }
0x16f: {  	v5 =	vld [tilespmem:s6+$0x860]  }
0x170: {  	[tilespmem:s26+$0x87F0] =	vst.add.f32.msk $0xffff, v4  }
0x171: {  	v4 =	vld [tilespmem:s29+$0xB80]  }
0x172: {  	[tilespmem:s4+$0x8B10] =	vst.add.f32.msk $0xffff, v6  }
0x173: {  	v6 =	vld [tilespmem:s0+$0xB20]  }
0x174: {  	[tilespmem:s7+$0x8860] =	vst.add.f32.msk $0xffff, v5  }
0x175: {  	v5 =	vld [tilespmem:s6+$0x870]  }
0x176: {  	[tilespmem:s26+$0x8B80] =	vst.add.f32.msk $0xffff, v4  }
0x177: {  	v4 =	vld [tilespmem:s29+$0xB90]  }
0x178: {  	[tilespmem:s4+$0x8B20] =	vst.add.f32.msk $0xffff, v6  }
0x179: {  	v6 =	vld [tilespmem:s0+$0xB30]  }
0x17a: {  	[tilespmem:s7+$0x8870] =	vst.add.f32.msk $0xffff, v5  }
0x17b: {  	v5 =	vld [tilespmem:s2+$0x400]  }
0x17c: {  	[tilespmem:s26+$0x8B90] =	vst.add.f32.msk $0xffff, v4  }
0x17d: {  	v4 =	vld [tilespmem:s29+$0xBA0]  }
0x17e: {  	[tilespmem:s4+$0x8B30] =	vst.add.f32.msk $0xffff, v6  }
0x17f: {  	v6 =	vld [tilespmem:s0+$0xB40]  }
0x180: {  	[tilespmem:s28+$0x8400] =	vst.add.f32.msk $0xffff, v5  }
0x181: {  	v5 =	vld [tilespmem:s2+$0x410]  }
0x182: {  	[tilespmem:s26+$0x8BA0] =	vst.add.f32.msk $0xffff, v4  }
0x183: {  	v4 =	vld [tilespmem:s29+$0xBB0]  }
0x184: {  	[tilespmem:s4+$0x8B40] =	vst.add.f32.msk $0xffff, v6  }
0x185: {  	v6 =	vld [tilespmem:s0+$0xB50]  }
0x186: {  	[tilespmem:s28+$0x8410] =	vst.add.f32.msk $0xffff, v5  }
0x187: {  	v5 =	vld [tilespmem:s2+$0x420]  }
0x188: {  	[tilespmem:s26+$0x8BB0] =	vst.add.f32.msk $0xffff, v4  }
0x189: {  	v4 =	vld [tilespmem:s29+$0xBC0]  }
0x18a: {  	[tilespmem:s4+$0x8B50] =	vst.add.f32.msk $0xffff, v6  }
0x18b: {  	v6 =	vld [tilespmem:s0+$0xB60]  }
0x18c: {  	[tilespmem:s28+$0x8420] =	vst.add.f32.msk $0xffff, v5  }
0x18d: {  	v5 =	vld [tilespmem:s2+$0x430]  }
0x18e: {  	[tilespmem:s26+$0x8BC0] =	vst.add.f32.msk $0xffff, v4  }
0x18f: {  	v4 =	vld [tilespmem:s29+$0xBD0]  }
0x190: {  	[tilespmem:s4+$0x8B60] =	vst.add.f32.msk $0xffff, v6  }
0x191: {  	v6 =	vld [tilespmem:s0+$0xB70]  }
0x192: {  	[tilespmem:s28+$0x8430] =	vst.add.f32.msk $0xffff, v5  }
0x193: {  	v5 =	vld [tilespmem:s2+$0x440]  }
0x194: {  	[tilespmem:s26+$0x8BD0] =	vst.add.f32.msk $0xffff, v4  }
0x195: {  	v4 =	vld [tilespmem:s29+$0xBE0]  }
0x196: {  	s7 =	sor.u32 $0xD00, s31;
	[tilespmem:s4+$0x8B70] =	vst.add.f32.msk $0xffff, v6  }
0x197: {  	v6 =	vld [tilespmem:s7+$0x200]  }
0x198: {  	[tilespmem:s28+$0x8440] =	vst.add.f32.msk $0xffff, v5  }
0x199: {  	v5 =	vld [tilespmem:s2+$0x450]  }
0x19a: {  	[tilespmem:s26+$0x8BE0] =	vst.add.f32.msk $0xffff, v4  }
0x19b: {  	s4 =	sor.u32 $0xD00, s30;
	v4 =	vld [tilespmem:s29+$0xBF0]  }
0x19c: {  	s6 =	sor.u32 $0xD10, s31;
	[tilespmem:s4+$0x8200] =	vst.add.f32.msk $0xffff, v6  }
0x19d: {  	v6 =	vld [tilespmem:s6+$0x200]  }
0x19e: {  	[tilespmem:s28+$0x8450] =	vst.add.f32.msk $0xffff, v5  }
0x19f: {  	v5 =	vld [tilespmem:s2+$0x460]  }
0x1a0: {  	[tilespmem:s26+$0x8BF0] =	vst.add.f32.msk $0xffff, v4  }
0x1a1: {  	s7 =	sor.u32 $0xD10, s30;
	v4 =	vld [tilespmem:s29+$0xF80]  }
0x1a2: {  	s4 =	sor.u32 $0xD20, s31;
	[tilespmem:s7+$0x8200] =	vst.add.f32.msk $0xffff, v6  }
0x1a3: {  	v6 =	vld [tilespmem:s4+$0x200]  }
0x1a4: {  	[tilespmem:s28+$0x8460] =	vst.add.f32.msk $0xffff, v5  }
0x1a5: {  	v5 =	vld [tilespmem:s2+$0x470]  }
0x1a6: {  	[tilespmem:s26+$0x8F80] =	vst.add.f32.msk $0xffff, v4  }
0x1a7: {  	s6 =	sor.u32 $0xD20, s30;
	v4 =	vld [tilespmem:s29+$0xF90]  }
0x1a8: {  	s7 =	sor.u32 $0xD30, s31;
	[tilespmem:s6+$0x8200] =	vst.add.f32.msk $0xffff, v6  }
0x1a9: {  	v6 =	vld [tilespmem:s7+$0x200]  }
0x1aa: {  	s4 =	sor.u32 $0xE00, s2;
	[tilespmem:s28+$0x8470] =	vst.add.f32.msk $0xffff, v5  }
0x1ab: {  	v5 =	vld [tilespmem:s4+$0x200]  }
0x1ac: {  	[tilespmem:s26+$0x8F90] =	vst.add.f32.msk $0xffff, v4  }
0x1ad: {  	v4 =	vld [tilespmem:s29+$0xFA0]  }
0x1ae: {  	[tilespmem:s26+$0x8ED0] =	vst.add.f32.msk $0xffff, v7;
	s6 =	sor.u32 $0xD30, s30  }
0x1af: {  	[tilespmem:s6+$0x8200] =	vst.add.f32.msk $0xffff, v6;
	s4 =	sor.u32 $0xE00, s28  }
0x1b0: {  	s6 =	sor.u32 $0xE10, s2;
	[tilespmem:s4+$0x8200] =	vst.add.f32.msk $0xffff, v5  }
0x1b1: {  	v5 =	vld [tilespmem:s6+$0x200]  }
0x1b2: {  	[tilespmem:s26+$0x8FA0] =	vst.add.f32.msk $0xffff, v4  }
0x1b3: {  	v4 =	vld [tilespmem:s29+$0xFB0]  }
0x1b4: {  	v7 =	vld [tilespmem:s29+$0xEE0];
	s7 =	sor.u32 $0xD40, s31  }
0x1b5: {  	v6 =	vld [tilespmem:s7+$0x200];
	s4 =	sor.u32 $0xE10, s28  }
0x1b6: {  	s6 =	sor.u32 $0xE20, s2;
	[tilespmem:s4+$0x8200] =	vst.add.f32.msk $0xffff, v5  }
0x1b7: {  	v5 =	vld [tilespmem:s6+$0x200]  }
0x1b8: {  	[tilespmem:s26+$0x8FB0] =	vst.add.f32.msk $0xffff, v4  }
0x1b9: {  	s7 =	sor.u32 $0xD40, s30;
	v4 =	vld [tilespmem:s29+$0xFC0]  }
0x1ba: {  	[tilespmem:s7+$0x8200] =	vst.add.f32.msk $0xffff, v6;
	s7 =	sor.u32 $0xD50, s31  }
0x1bb: {  	v6 =	vld [tilespmem:s7+$0x200];
	s4 =	sor.u32 $0xE20, s28  }
0x1bc: {  	s6 =	sor.u32 $0xE30, s2;
	[tilespmem:s4+$0x8200] =	vst.add.f32.msk $0xffff, v5  }
0x1bd: {  	v5 =	vld [tilespmem:s6+$0x200]  }
0x1be: {  	[tilespmem:s26+$0x8FC0] =	vst.add.f32.msk $0xffff, v4  }
0x1bf: {  	v4 =	vld [tilespmem:s29+$0xFD0]  }
0x1c0: {  	[tilespmem:s26+$0x8EE0] =	vst.add.f32.msk $0xffff, v7;
	s7 =	sor.u32 $0xD50, s30  }
0x1c1: {  	[tilespmem:s7+$0x8200] =	vst.add.f32.msk $0xffff, v6;
	s6 =	sor.u32 $0xE30, s28  }
0x1c2: {  	s7 =	sor.u32 $0xE40, s2;
	[tilespmem:s6+$0x8200] =	vst.add.f32.msk $0xffff, v5  }
0x1c3: {  	v5 =	vld [tilespmem:s7+$0x200]  }
0x1c4: {  	s4 =	sor.u32 $0xD60, s31;
	[tilespmem:s26+$0x8FD0] =	vst.add.f32.msk $0xffff, v4  }
0x1c5: {  	v6 =	vld [tilespmem:s4+$0x200]  }
0x1c6: {  	v4 =	vld [tilespmem:s29+$0xFE0]  }
0x1c7: {  	v60 =	vld [tilespmem:s29+$0xEF0];
	s6 =	sor.u32 $0xE40, s28  }
0x1c8: {  	s7 =	sor.u32 $0xE50, s2;
	[tilespmem:s6+$0x8200] =	vst.add.f32.msk $0xffff, v5  }
0x1c9: {  	s4 =	sor.u32 $0xD60, s30;
	v5 =	vld [tilespmem:s7+$0x200]  }
0x1ca: {  	[tilespmem:s4+$0x8200] =	vst.add.f32.msk $0xffff, v6  }
0x1cb: {  	s31 =	sor.u32 $0xD70, s31;
	[tilespmem:s26+$0x8FE0] =	vst.add.f32.msk $0xffff, v4  }
0x1cc: {  	v59 =	vld [tilespmem:s31+$0x200]  }
0x1cd: {  	v4 =	vld [tilespmem:s29+$0xFF0];
	s29 =	sor.u32 s24, s25;
	s6 =	sor.u32 $0xE50, s28  }
0x1ce: {  	s29 =	sshll.u32 s29, $0x9;
	s7 =	sor.u32 $0xE60, s2;
	[tilespmem:s6+$0x8200] =	vst.add.f32.msk $0xffff, v5;
	s6 =	sor.u32 $0x6, s25  }
0x1cf: {  	s4 =	sand.u32 $0x7000, s29;
	v5 =	vld [tilespmem:s7+$0x200];
	s7 =	sor.u32 s24, s6  }
0x1d0: {  	s31 =	sor.u32 $0xD70, s30;
	v8 =	vld [tilespmem:s4+$0x480];
	s30 =	sshll.u32 s7, $0x9  }
0x1d1: {  	v9 =	vld [tilespmem:s4+$0x580];
	s0 =	sand.u32 $0x7000, s30  }
0x1d2: {  	v61 =	vld [tilespmem:s0+$0x500]  }
0x1d3: {  	[tilespmem:s31+$0x8200] =	vst.add.f32.msk $0xffff, v59;
	s31 =	sor.u32 $0xE60, s28  }
0x1d4: {  	s2 =	sor.u32 $0xE70, s2;
	s6 =	sor.u32 s23, s6;
	[tilespmem:s31+$0x8200] =	vst.add.f32.msk $0xffff, v5  }
0x1d5: {  	s31 =	sor.u32 s23, s25;
	v5 =	vld [tilespmem:s2+$0x200];
	s2 =	sshll.u32 s6, $0x9  }
0x1d6: {  	s31 =	sshll.u32 s31, $0x9;
	s6 =	sand.u32 $0x1F000, s2  }
0x1d7: {  	s7 =	sand.u32 $0x1F000, s31;
	[tilespmem:s6+$0x8500] =	vst.add.f32.msk $0xffff, v61  }
0x1d8: {  	[tilespmem:s7+$0x8480] =	vst.add.f32.msk $0xffff, v8  }
0x1d9: {  	[tilespmem:s7+$0x8580] =	vst.add.f32.msk $0xffff, v9  }
0x1da: {  	v7 =	vld [tilespmem:s0+$0x510]  }
0x1db: {  	v8 =	vld [tilespmem:s4+$0x490]  }
0x1dc: {  	v9 =	vld [tilespmem:s4+$0x590];
	_ =	sdelay $0x2  }
0x1dd: {  	[tilespmem:s6+$0x8510] =	vst.add.f32.msk $0xffff, v7  }
0x1de: {  	[tilespmem:s7+$0x8490] =	vst.add.f32.msk $0xffff, v8  }
0x1df: {  	[tilespmem:s7+$0x8590] =	vst.add.f32.msk $0xffff, v9  }
0x1e0: {  	v7 =	vld [tilespmem:s0+$0x520]  }
0x1e1: {  	v8 =	vld [tilespmem:s4+$0x4A0]  }
0x1e2: {  	v9 =	vld [tilespmem:s4+$0x5A0];
	_ =	sdelay $0x2  }
0x1e3: {  	[tilespmem:s6+$0x8520] =	vst.add.f32.msk $0xffff, v7  }
0x1e4: {  	[tilespmem:s7+$0x84A0] =	vst.add.f32.msk $0xffff, v8  }
0x1e5: {  	[tilespmem:s7+$0x85A0] =	vst.add.f32.msk $0xffff, v9  }
0x1e6: {  	v7 =	vld [tilespmem:s0+$0x530]  }
0x1e7: {  	v8 =	vld [tilespmem:s4+$0x4B0]  }
0x1e8: {  	v9 =	vld [tilespmem:s4+$0x5B0];
	_ =	sdelay $0x2  }
0x1e9: {  	[tilespmem:s6+$0x8530] =	vst.add.f32.msk $0xffff, v7  }
0x1ea: {  	[tilespmem:s7+$0x84B0] =	vst.add.f32.msk $0xffff, v8  }
0x1eb: {  	[tilespmem:s7+$0x85B0] =	vst.add.f32.msk $0xffff, v9  }
0x1ec: {  	v7 =	vld [tilespmem:s0+$0x540]  }
0x1ed: {  	v8 =	vld [tilespmem:s4+$0x4C0]  }
0x1ee: {  	v9 =	vld [tilespmem:s4+$0x5C0];
	_ =	sdelay $0x2  }
0x1ef: {  	[tilespmem:s6+$0x8540] =	vst.add.f32.msk $0xffff, v7  }
0x1f0: {  	[tilespmem:s7+$0x84C0] =	vst.add.f32.msk $0xffff, v8  }
0x1f1: {  	[tilespmem:s7+$0x85C0] =	vst.add.f32.msk $0xffff, v9  }
0x1f2: {  	v7 =	vld [tilespmem:s0+$0x550]  }
0x1f3: {  	v8 =	vld [tilespmem:s4+$0x4D0]  }
0x1f4: {  	v9 =	vld [tilespmem:s4+$0x5D0];
	_ =	sdelay $0x2  }
0x1f5: {  	[tilespmem:s6+$0x8550] =	vst.add.f32.msk $0xffff, v7  }
0x1f6: {  	[tilespmem:s7+$0x84D0] =	vst.add.f32.msk $0xffff, v8  }
0x1f7: {  	[tilespmem:s7+$0x85D0] =	vst.add.f32.msk $0xffff, v9  }
0x1f8: {  	v7 =	vld [tilespmem:s0+$0x560]  }
0x1f9: {  	v8 =	vld [tilespmem:s4+$0x4E0]  }
0x1fa: {  	v9 =	vld [tilespmem:s4+$0x5E0];
	_ =	sdelay $0x2  }
0x1fb: {  	[tilespmem:s6+$0x8560] =	vst.add.f32.msk $0xffff, v7  }
0x1fc: {  	[tilespmem:s7+$0x84E0] =	vst.add.f32.msk $0xffff, v8  }
0x1fd: {  	[tilespmem:s7+$0x85E0] =	vst.add.f32.msk $0xffff, v9  }
0x1fe: {  	v7 =	vld [tilespmem:s0+$0x570]  }
0x1ff: {  	v8 =	vld [tilespmem:s4+$0x4F0]  }
0x200: {  	v9 =	vld [tilespmem:s4+$0x5F0];
	_ =	sdelay $0x2  }
0x201: {  	[tilespmem:s6+$0x8570] =	vst.add.f32.msk $0xffff, v7  }
0x202: {  	[tilespmem:s7+$0x84F0] =	vst.add.f32.msk $0xffff, v8  }
0x203: {  	[tilespmem:s7+$0x85F0] =	vst.add.f32.msk $0xffff, v9  }
0x204: {  	v7 =	vld [tilespmem:s0+$0x900]  }
0x205: {  	v8 =	vld [tilespmem:s4+$0x880]  }
0x206: {  	v9 =	vld [tilespmem:s4+$0x980];
	_ =	sdelay $0x2  }
0x207: {  	[tilespmem:s6+$0x8900] =	vst.add.f32.msk $0xffff, v7  }
0x208: {  	[tilespmem:s7+$0x8880] =	vst.add.f32.msk $0xffff, v8  }
0x209: {  	[tilespmem:s7+$0x8980] =	vst.add.f32.msk $0xffff, v9  }
0x20a: {  	v7 =	vld [tilespmem:s0+$0x910]  }
0x20b: {  	v8 =	vld [tilespmem:s4+$0x890]  }
0x20c: {  	v9 =	vld [tilespmem:s4+$0x990];
	_ =	sdelay $0x2  }
0x20d: {  	[tilespmem:s6+$0x8910] =	vst.add.f32.msk $0xffff, v7  }
0x20e: {  	[tilespmem:s7+$0x8890] =	vst.add.f32.msk $0xffff, v8  }
0x20f: {  	[tilespmem:s7+$0x8990] =	vst.add.f32.msk $0xffff, v9  }
0x210: {  	v7 =	vld [tilespmem:s0+$0x920]  }
0x211: {  	v8 =	vld [tilespmem:s4+$0x8A0]  }
0x212: {  	v9 =	vld [tilespmem:s4+$0x9A0];
	_ =	sdelay $0x2  }
0x213: {  	[tilespmem:s6+$0x8920] =	vst.add.f32.msk $0xffff, v7  }
0x214: {  	[tilespmem:s7+$0x88A0] =	vst.add.f32.msk $0xffff, v8  }
0x215: {  	[tilespmem:s7+$0x89A0] =	vst.add.f32.msk $0xffff, v9  }
0x216: {  	v7 =	vld [tilespmem:s0+$0x930]  }
0x217: {  	v8 =	vld [tilespmem:s4+$0x8B0]  }
0x218: {  	v9 =	vld [tilespmem:s4+$0x9B0];
	_ =	sdelay $0x2  }
0x219: {  	[tilespmem:s6+$0x8930] =	vst.add.f32.msk $0xffff, v7  }
0x21a: {  	[tilespmem:s7+$0x88B0] =	vst.add.f32.msk $0xffff, v8  }
0x21b: {  	[tilespmem:s7+$0x89B0] =	vst.add.f32.msk $0xffff, v9  }
0x21c: {  	v7 =	vld [tilespmem:s0+$0x940]  }
0x21d: {  	v8 =	vld [tilespmem:s4+$0x8C0]  }
0x21e: {  	v9 =	vld [tilespmem:s4+$0x9C0];
	_ =	sdelay $0x2  }
0x21f: {  	[tilespmem:s6+$0x8940] =	vst.add.f32.msk $0xffff, v7  }
0x220: {  	[tilespmem:s7+$0x88C0] =	vst.add.f32.msk $0xffff, v8  }
0x221: {  	[tilespmem:s7+$0x89C0] =	vst.add.f32.msk $0xffff, v9  }
0x222: {  	v7 =	vld [tilespmem:s0+$0x950]  }
0x223: {  	v8 =	vld [tilespmem:s4+$0x8D0]  }
0x224: {  	v9 =	vld [tilespmem:s4+$0x9D0];
	_ =	sdelay $0x2  }
0x225: {  	[tilespmem:s6+$0x8950] =	vst.add.f32.msk $0xffff, v7  }
0x226: {  	[tilespmem:s7+$0x88D0] =	vst.add.f32.msk $0xffff, v8  }
0x227: {  	[tilespmem:s7+$0x89D0] =	vst.add.f32.msk $0xffff, v9  }
0x228: {  	v7 =	vld [tilespmem:s0+$0x960]  }
0x229: {  	v8 =	vld [tilespmem:s4+$0x8E0]  }
0x22a: {  	v9 =	vld [tilespmem:s4+$0x9E0];
	_ =	sdelay $0x2  }
0x22b: {  	[tilespmem:s6+$0x8960] =	vst.add.f32.msk $0xffff, v7  }
0x22c: {  	[tilespmem:s7+$0x88E0] =	vst.add.f32.msk $0xffff, v8  }
0x22d: {  	[tilespmem:s7+$0x89E0] =	vst.add.f32.msk $0xffff, v9  }
0x22e: {  	v7 =	vld [tilespmem:s0+$0x970]  }
0x22f: {  	v8 =	vld [tilespmem:s4+$0x8F0]  }
0x230: {  	v9 =	vld [tilespmem:s4+$0x9F0];
	_ =	sdelay $0x2  }
0x231: {  	[tilespmem:s6+$0x8970] =	vst.add.f32.msk $0xffff, v7  }
0x232: {  	[tilespmem:s7+$0x88F0] =	vst.add.f32.msk $0xffff, v8  }
0x233: {  	[tilespmem:s7+$0x89F0] =	vst.add.f32.msk $0xffff, v9  }
0x234: {  	v7 =	vld [tilespmem:s0+$0xD00]  }
0x235: {  	v8 =	vld [tilespmem:s29+$0xC80]  }
0x236: {  	v9 =	vld [tilespmem:s4+$0xD80];
	_ =	sdelay $0x2  }
0x237: {  	[tilespmem:s6+$0x8D00] =	vst.add.f32.msk $0xffff, v7  }
0x238: {  	[tilespmem:s31+$0x8C80] =	vst.add.f32.msk $0xffff, v8  }
0x239: {  	[tilespmem:s7+$0x8D80] =	vst.add.f32.msk $0xffff, v9  }
0x23a: {  	v7 =	vld [tilespmem:s0+$0xD10]  }
0x23b: {  	v8 =	vld [tilespmem:s29+$0xC90]  }
0x23c: {  	v9 =	vld [tilespmem:s4+$0xD90];
	_ =	sdelay $0x2  }
0x23d: {  	[tilespmem:s6+$0x8D10] =	vst.add.f32.msk $0xffff, v7  }
0x23e: {  	[tilespmem:s31+$0x8C90] =	vst.add.f32.msk $0xffff, v8  }
0x23f: {  	[tilespmem:s7+$0x8D90] =	vst.add.f32.msk $0xffff, v9  }
0x240: {  	v7 =	vld [tilespmem:s0+$0xD20]  }
0x241: {  	v8 =	vld [tilespmem:s29+$0xCA0]  }
0x242: {  	v9 =	vld [tilespmem:s4+$0xDA0];
	_ =	sdelay $0x2  }
0x243: {  	[tilespmem:s6+$0x8D20] =	vst.add.f32.msk $0xffff, v7  }
0x244: {  	[tilespmem:s31+$0x8CA0] =	vst.add.f32.msk $0xffff, v8  }
0x245: {  	[tilespmem:s7+$0x8DA0] =	vst.add.f32.msk $0xffff, v9  }
0x246: {  	v7 =	vld [tilespmem:s0+$0xD30]  }
0x247: {  	v8 =	vld [tilespmem:s29+$0xCB0]  }
0x248: {  	v9 =	vld [tilespmem:s4+$0xDB0];
	_ =	sdelay $0x2  }
0x249: {  	[tilespmem:s6+$0x8D30] =	vst.add.f32.msk $0xffff, v7  }
0x24a: {  	[tilespmem:s31+$0x8CB0] =	vst.add.f32.msk $0xffff, v8  }
0x24b: {  	[tilespmem:s7+$0x8DB0] =	vst.add.f32.msk $0xffff, v9  }
0x24c: {  	v7 =	vld [tilespmem:s0+$0xD40]  }
0x24d: {  	v8 =	vld [tilespmem:s29+$0xCC0]  }
0x24e: {  	v9 =	vld [tilespmem:s4+$0xDC0];
	_ =	sdelay $0x2  }
0x24f: {  	[tilespmem:s6+$0x8D40] =	vst.add.f32.msk $0xffff, v7  }
0x250: {  	[tilespmem:s31+$0x8CC0] =	vst.add.f32.msk $0xffff, v8  }
0x251: {  	[tilespmem:s7+$0x8DC0] =	vst.add.f32.msk $0xffff, v9  }
0x252: {  	v7 =	vld [tilespmem:s0+$0xD50]  }
0x253: {  	v8 =	vld [tilespmem:s29+$0xCD0]  }
0x254: {  	v9 =	vld [tilespmem:s4+$0xDD0];
	_ =	sdelay $0x2  }
0x255: {  	[tilespmem:s6+$0x8D50] =	vst.add.f32.msk $0xffff, v7  }
0x256: {  	[tilespmem:s31+$0x8CD0] =	vst.add.f32.msk $0xffff, v8  }
0x257: {  	[tilespmem:s7+$0x8DD0] =	vst.add.f32.msk $0xffff, v9  }
0x258: {  	v7 =	vld [tilespmem:s0+$0xD60]  }
0x259: {  	v8 =	vld [tilespmem:s29+$0xCE0]  }
0x25a: {  	v9 =	vld [tilespmem:s4+$0xDE0];
	_ =	sdelay $0x2  }
0x25b: {  	[tilespmem:s6+$0x8D60] =	vst.add.f32.msk $0xffff, v7  }
0x25c: {  	[tilespmem:s31+$0x8CE0] =	vst.add.f32.msk $0xffff, v8  }
0x25d: {  	[tilespmem:s7+$0x8DE0] =	vst.add.f32.msk $0xffff, v9  }
0x25e: {  	v8 =	vld [tilespmem:s29+$0xCF0]  }
0x25f: {  	v7 =	vld [tilespmem:s0+$0xD70]  }
0x260: {  	v9 =	vld [tilespmem:s4+$0xDF0];
	_ =	sdelay $0x1  }
0x261: {  	[tilespmem:s26+$0x8E70] =	vst.add.f32.msk $0xffff, v3  }
0x262: {  	[tilespmem:s31+$0x8CF0] =	vst.add.f32.msk $0xffff, v8  }
0x263: {  	[tilespmem:s6+$0x8D70] =	vst.add.f32.msk $0xffff, v7  }
0x264: {  	[tilespmem:s7+$0x8DF0] =	vst.add.f32.msk $0xffff, v9  }
0x265: {  	v3 =	vld [tilespmem:s29+$0x1080]  }
0x266: {  	v62 =	vld [tilespmem:s30+$0x500]  }
0x267: {  	v63 =	vld [tilespmem:s29+$0x1180];
	_ =	sdelay $0x2  }
0x268: {  	[tilespmem:s31+$0x9080] =	vst.add.f32.msk $0xffff, v3  }
0x269: {  	[tilespmem:s2+$0x8500] =	vst.add.f32.msk $0xffff, v62  }
0x26a: {  	[tilespmem:s31+$0x9180] =	vst.add.f32.msk $0xffff, v63  }
0x26b: {  	v3 =	vld [tilespmem:s29+$0x1090]  }
0x26c: {  	v6 =	vld [tilespmem:s30+$0x510]  }
0x26d: {  	v7 =	vld [tilespmem:s29+$0x1190];
	_ =	sdelay $0x2  }
0x26e: {  	[tilespmem:s31+$0x9090] =	vst.add.f32.msk $0xffff, v3  }
0x26f: {  	[tilespmem:s2+$0x8510] =	vst.add.f32.msk $0xffff, v6  }
0x270: {  	[tilespmem:s31+$0x9190] =	vst.add.f32.msk $0xffff, v7  }
0x271: {  	v3 =	vld [tilespmem:s29+$0x10A0]  }
0x272: {  	v6 =	vld [tilespmem:s30+$0x520]  }
0x273: {  	v7 =	vld [tilespmem:s29+$0x11A0];
	_ =	sdelay $0x2  }
0x274: {  	[tilespmem:s31+$0x90A0] =	vst.add.f32.msk $0xffff, v3  }
0x275: {  	[tilespmem:s2+$0x8520] =	vst.add.f32.msk $0xffff, v6  }
0x276: {  	[tilespmem:s31+$0x91A0] =	vst.add.f32.msk $0xffff, v7  }
0x277: {  	v3 =	vld [tilespmem:s29+$0x10B0]  }
0x278: {  	v6 =	vld [tilespmem:s30+$0x530]  }
0x279: {  	v7 =	vld [tilespmem:s29+$0x11B0];
	_ =	sdelay $0x2  }
0x27a: {  	[tilespmem:s31+$0x90B0] =	vst.add.f32.msk $0xffff, v3  }
0x27b: {  	[tilespmem:s2+$0x8530] =	vst.add.f32.msk $0xffff, v6  }
0x27c: {  	[tilespmem:s31+$0x91B0] =	vst.add.f32.msk $0xffff, v7  }
0x27d: {  	v3 =	vld [tilespmem:s29+$0x10C0]  }
0x27e: {  	v6 =	vld [tilespmem:s30+$0x540]  }
0x27f: {  	v7 =	vld [tilespmem:s29+$0x11C0];
	_ =	sdelay $0x2  }
0x280: {  	[tilespmem:s31+$0x90C0] =	vst.add.f32.msk $0xffff, v3  }
0x281: {  	[tilespmem:s2+$0x8540] =	vst.add.f32.msk $0xffff, v6  }
0x282: {  	[tilespmem:s31+$0x91C0] =	vst.add.f32.msk $0xffff, v7  }
0x283: {  	v3 =	vld [tilespmem:s29+$0x10D0]  }
0x284: {  	v6 =	vld [tilespmem:s30+$0x550]  }
0x285: {  	v7 =	vld [tilespmem:s29+$0x11D0];
	_ =	sdelay $0x2  }
0x286: {  	[tilespmem:s31+$0x90D0] =	vst.add.f32.msk $0xffff, v3  }
0x287: {  	[tilespmem:s2+$0x8550] =	vst.add.f32.msk $0xffff, v6  }
0x288: {  	[tilespmem:s31+$0x91D0] =	vst.add.f32.msk $0xffff, v7  }
0x289: {  	v3 =	vld [tilespmem:s29+$0x10E0]  }
0x28a: {  	v6 =	vld [tilespmem:s30+$0x560]  }
0x28b: {  	v7 =	vld [tilespmem:s29+$0x11E0];
	_ =	sdelay $0x1  }
0x28c: {  	[tilespmem:s26+$0x8EF0] =	vst.add.f32.msk $0xffff, v60  }
0x28d: {  	[tilespmem:s31+$0x90E0] =	vst.add.f32.msk $0xffff, v3  }
0x28e: {  	[tilespmem:s2+$0x8560] =	vst.add.f32.msk $0xffff, v6  }
0x28f: {  	[tilespmem:s31+$0x91E0] =	vst.add.f32.msk $0xffff, v7  }
0x290: {  	v3 =	vld [tilespmem:s29+$0x10F0]  }
0x291: {  	v6 =	vld [tilespmem:s30+$0x570]  }
0x292: {  	p0 =	slt.u32 s25, $0x18;
	v7 =	vld [tilespmem:s29+$0x11F0]  }
.Ltmp0:
0x293: {  	[tilespmem:s26+$0x8FF0] =	vst.add.f32.msk $0xffff, v4;
	s29 =	sor.u32 $0xE70, s28;
	(pc) =	sbr.rel @p0 .LBB2_3-.Ltmp0, $4  }
0x294: {  	[tilespmem:s29+$0x8200] =	vst.add.f32.msk $0xffff, v5  }
0x295: {  	[tilespmem:s31+$0x90F0] =	vst.add.f32.msk $0xffff, v3  }
0x296: {  	s30 =	sadd.s32 $0x8, s25;
	[tilespmem:s2+$0x8570] =	vst.add.f32.msk $0xffff, v6  }
0x297: {  	s25 =	smov.u32 s30;
	[tilespmem:s31+$0x91F0] =	vst.add.f32.msk $0xffff, v7  }
0x298: {  	s4 =	sshll.u32 s20, $0x10;
	s20 =	sadd.s32 $0x1, s20  }
0x299: {  	p0 =	sne.s32 s20, $0x8  }
.Ltmp1:
0x29a: {  	_ = 	snop;
	(pc) =	sbr.rel @p0 .LBB2_2-.Ltmp1, $4  }
0x29b: {  	s0 =	sshll.u32 s21, $0xE;
	s2 =	sshll.u32 s22, $0xB  }
0x29c: {  	s0 =	sand.u32 $0x3FFFC000, s0;
	s4 =	sand.u32 $0x60000, s4;
	s2 =	sadd.s32 s2, s10  }
0x29d: {  	s6 =	sadd.s32 $0x6, s21;
	s0 =	sadd.s32 $0x8200, s0;
	s2 =	sadd.s32 s4, s2  }
0x29e: {  	[hbm4b:s2+s3] =	stream.linear.scatter [tilespmem:s0], [sflag:s6], $0x4000, $0x38;
	[tilespmem:$0x1C200] =	vst v63  }
0x29f: {  	_ =	swait.ge [sflag:s13], $0x4000  }
0x2a0: {  	[sflag:s13] =	ssyncset.done $0x0  }
0x2a1: {  	[sflag:s13] =	ssyncadd.s32 $0xFFFFC000  }
0x2a2: {  	_ =	swait.ge [sflag:s14], $0x4000  }
0x2a3: {  	[sflag:s14] =	ssyncset.done $0x0  }
0x2a4: {  	[sflag:s14] =	ssyncadd.s32 $0xFFFFC000  }
0x2a5: {  	_ =	swait.ge [sflag:s15], $0x4000  }
0x2a6: {  	[sflag:s15] =	ssyncset.done $0x0  }
0x2a7: {  	s19 =	sadd.s32 $0x1, s19;
	[sflag:s15] =	ssyncadd.s32 $0xFFFFC000  }
0x2a8: {  	p0 =	sne.s32 s19, s11;
	_ =	swait.ge [sflag:s17], $0x4000  }
.Ltmp2:
0x2a9: {  	[sflag:s17] =	ssyncset.done $0x0;
	(pc) =	sbr.rel @p0 .LBB2_1-.Ltmp2, $4  }
0x2aa: {  	[sflag:s17] =	ssyncadd.s32 $0xFFFFC000  }
0x2ab: {  	_ =	swait.ge [sflag:s18], $0x4000  }
0x2ac: {  	[sflag:s18] =	ssyncset.done $0x0  }
0x2ad: {  	[sflag:s18] =	ssyncadd.s32 $0xFFFFC000  }
0x2ae: {  	_ =	sfence.sel $0x180000  }
0x2af: {  	[bflag:$0x0] =	sbarrier.arrive $0xFFFF  }
0x2b0: {  	_ =	strace $0x90000047  }
0x2b1: {  	s0 =	stileid.u32;
	[bflag:$0x2] =	sbarrier.arrive $0xFFFF  }
0x2b2: {  	p0 =	sne.s32 s0, $0x0;
	s0 =	rddreg [dreg:$0x4]  }
0x2b3: {  	s0 =	sadd.s32 @!p0 $0x100000, s0  }
0x2b4: {  	[sflag:s0] =	ssyncadd.tile.s32 @!p0 $0x1;
	_ =	shalt  }
.Lfunc_end2:
_tile_overlayer_lowered:
.L_overlay_start_2:
0x2b5: {  	(tag) =	ssettag $0x2  }
0x2b6: {  	s0 =	rddreg [dreg:$0x0];
	s2 =	stileid.u32  }
0x2b7: {  	s1 =	rddreg [dreg:$0x1];
	p0 =	sne.s32 s2, $0x0  }
0x2b8: {  	s3 =	rddreg [dreg:$0x2];
	[bflag:$0x3] =	sbarrier.arrive $0xFFFF;
	s2 =	simm.s32 @!p0 $0x1C0D  }
0x2b9: {  	[timem:s3], [sflag:s2] =	dma.local @!p0 [hbm:s0], s1  }
0x2ba: {  	s0 =	simm.s32 @!p0 $0xD  }
0x2bb: {  	_ =	swait.ge @!p0 [sflag:s0], s1  }
0x2bc: {  	s1 =	ssub.s32 @!p0 $0x0, s1;
	[sflag:s0] =	ssyncset.done @!p0 $0x0  }
0x2bd: {  	[sflag:s0] =	ssyncadd.s32 @!p0 s1  }
0x2be: {  	[bflag:$0x3] =	sbarrier.arrive $0xFFFF  }
0x2bf: {  	_ =	shalt  }

</sc_bundles>
